<compile_context>
chip_gen: v7x
topology: tpu7x:2x2x1
jax: 0.10.2.dev20260603
libtpu: 0.0.44.dev20260713+nightly
codegen_flags: <defaults>
</compile_context>

<pallas_src>
import jax
import jax.numpy as jnp
from jax import lax
from jax.experimental import pallas as pl
from jax.experimental.pallas import tpu as pltpu
from jax.experimental.pallas import tpu_sc as plsc

N_NODES = 10000
N_EDGES = 320000
D_IN = 128
D_HID = 128
D_OUT = 64

N_TILES = 16
N_PAD = 10112
ROWS_PER_TILE = N_PAD // N_TILES
STEP = 128
TOT_STEPS = 2560
E_PAD = TOT_STEPS * STEP
DEG_SPLIT = 80
ROW_BLK = 2000



def _make_sc_aggregate(width, with_deg, edge_split, s_t, ph, nbuf, sdepth):
  n_ph = s_t // ph
  out_type = [jax.ShapeDtypeStruct((N_PAD, width), jnp.float32),
              jax.ShapeDtypeStruct((N_PAD, width), jnp.float32)]
  scratch = [pltpu.VMEM((ph, STEP), jnp.int32),
             pltpu.VMEM((ph, STEP), jnp.int32),
             pltpu.VMEM((nbuf, STEP, width), jnp.float32),
             pltpu.VMEM_SHARED((N_PAD, width), jnp.float32),
             pltpu.SemaphoreType.DMA,
             pltpu.SemaphoreType.DMA]
  if with_deg:
    out_type += [jax.ShapeDtypeStruct((N_PAD, 16), jnp.float32),
                 jax.ShapeDtypeStruct((N_PAD, 16), jnp.float32)]
    scratch += [pltpu.VMEM((STEP, 16), jnp.float32),
                pltpu.VMEM_SHARED((N_PAD, 16), jnp.float32),
                pltpu.SemaphoreType.DMA]

  mesh = plsc.VectorSubcoreMesh(core_axis_name="c", subcore_axis_name="s")

  def body(*refs):
    if with_deg:
      (ytab, src_hbm, dst_hbm, zf_hbm, zd_hbm, ones_hbm,
       out_a, out_b, deg_a, deg_b,
       src_v, dst_v, rows_v, agg_sh, gsem, ssem, ones_v, deg_sh, dsem) = refs
    else:
      (ytab, src_hbm, dst_hbm, zf_hbm,
       out_a, out_b,
       src_v, dst_v, rows_v, agg_sh, gsem, ssem) = refs
    c = lax.axis_index("c")
    s = lax.axis_index("s")
    tile_rows = pl.ds(s * ROWS_PER_TILE, ROWS_PER_TILE)
    if edge_split:
      tab = ytab
      idx_base = (c * N_TILES + s) * s_t
    else:
      tab = ytab.at[c]
      idx_base = s * s_t

    pltpu.sync_copy(zf_hbm.at[tile_rows], agg_sh.at[tile_rows])
    if with_deg:
      pltpu.sync_copy(zd_hbm.at[tile_rows], deg_sh.at[tile_rows])
      pltpu.sync_copy(ones_hbm, ones_v)
    plsc.subcore_barrier()

    def do_phase(p, carry):
      pltpu.sync_copy(src_hbm.at[pl.ds(idx_base + p * ph, ph)], src_v)
      pltpu.sync_copy(dst_hbm.at[pl.ds(idx_base + p * ph, ph)], dst_v)
      if with_deg and not edge_split:
        cnt = jnp.where(c == 0, p * ph < DEG_SPLIT, p * ph >= DEG_SPLIT)

      for b in range(sdepth):
        pltpu.async_copy(tab.at[src_v.at[b]], rows_v.at[b], gsem)

      def step(j, carry2):
        buf = rows_v.at[j % nbuf]
        pltpu.make_async_copy(tab.at[src_v.at[j]], buf, gsem).wait()
        pltpu.async_copy(buf, agg_sh.at[dst_v.at[j]], ssem, add=True)
        if with_deg:
          if edge_split:
            pltpu.async_copy(ones_v, deg_sh.at[dst_v.at[j]], dsem, add=True)
          else:
            @pl.when(cnt)
            def _():
              pltpu.async_copy(ones_v, deg_sh.at[dst_v.at[j]], dsem, add=True)

        @pl.when(j >= sdepth)
        def _():
          pltpu.make_async_copy(rows_v.at[(j - sdepth) % nbuf],
                                agg_sh.at[dst_v.at[j - sdepth]], ssem).wait()
          if with_deg:
            if edge_split:
              pltpu.make_async_copy(ones_v, deg_sh.at[dst_v.at[j - sdepth]],
                                    dsem).wait()
            else:
              @pl.when(cnt)
              def _():
                pltpu.make_async_copy(ones_v, deg_sh.at[dst_v.at[j - sdepth]],
                                      dsem).wait()

        @pl.when(j + sdepth < ph)
        def _():
          pltpu.async_copy(tab.at[src_v.at[j + sdepth]],
                           rows_v.at[(j + sdepth) % nbuf], gsem)
        return carry2

      lax.fori_loop(0, ph, step, 0)
      for j in range(ph - sdepth, ph):
        pltpu.make_async_copy(rows_v.at[j % nbuf],
                              agg_sh.at[dst_v.at[j]], ssem).wait()
        if with_deg:
          if edge_split:
            pltpu.make_async_copy(ones_v, deg_sh.at[dst_v.at[j]], dsem).wait()
          else:
            @pl.when(cnt)
            def _():
              pltpu.make_async_copy(ones_v, deg_sh.at[dst_v.at[j]],
                                    dsem).wait()
      return carry

    lax.fori_loop(0, n_ph, do_phase, 0)
    plsc.subcore_barrier()

    @pl.when(c == 0)
    def _():
      pltpu.sync_copy(agg_sh.at[tile_rows], out_a.at[tile_rows])
      if with_deg:
        pltpu.sync_copy(deg_sh.at[tile_rows], deg_a.at[tile_rows])

    @pl.when(c == 1)
    def _():
      pltpu.sync_copy(agg_sh.at[tile_rows], out_b.at[tile_rows])
      if with_deg:
        pltpu.sync_copy(deg_sh.at[tile_rows], deg_b.at[tile_rows])

  return pl.kernel(body, out_type=out_type, mesh=mesh, scratch_types=scratch,
                   compiler_params=pltpu.CompilerParams(use_tc_tiling_on_sc=False))



def _tc_layer1(x, wcat):
  def body(x_ref, w_ref, ytab_ref, z_ref):
    y = jnp.dot(x_ref[...], w_ref[...], preferred_element_type=jnp.float32)
    ytab_ref[0] = y[:, :64]
    ytab_ref[1] = y[:, 64:128]
    z_ref[...] = y[:, 128:]

  return pl.pallas_call(
      body,
      grid=(N_NODES // ROW_BLK,),
      in_specs=[pl.BlockSpec((ROW_BLK, D_IN), lambda i: (i, 0)),
                pl.BlockSpec((D_IN, 2 * D_HID), lambda i: (0, 0))],
      out_specs=[pl.BlockSpec((2, ROW_BLK, 64), lambda i: (0, i, 0)),
                 pl.BlockSpec((ROW_BLK, D_HID), lambda i: (i, 0))],
      out_shape=[jax.ShapeDtypeStruct((2, N_NODES, 64), jnp.float32),
                 jax.ShapeDtypeStruct((N_NODES, D_HID), jnp.float32)],
  )(x, wcat)


def _tc_layer2(agg_a, agg_b, deg_a, deg_b, z1, bl1, wcat, bl2):
  def body(a_ref, b_ref, da_ref, db_ref, z1_ref, bl1_ref, w_ref, bl2_ref,
           y_ref, z2_ref):
    deg = da_ref[:, 0:1] + db_ref[:, 0:1]
    inv = 1.0 / jnp.maximum(deg, 1.0)
    mean = jnp.concatenate([a_ref[...], b_ref[...]], axis=1) * inv
    h = jnp.maximum(mean + bl1_ref[...] + z1_ref[...], 0.0)
    y2 = jnp.dot(h, w_ref[...], preferred_element_type=jnp.float32)
    y_ref[...] = y2[:, :D_OUT]
    z2_ref[...] = y2[:, D_OUT:] + bl2_ref[...]

  return pl.pallas_call(
      body,
      grid=(N_NODES // ROW_BLK,),
      in_specs=[pl.BlockSpec((ROW_BLK, 64), lambda i: (i, 0)),
                pl.BlockSpec((ROW_BLK, 64), lambda i: (i, 0)),
                pl.BlockSpec((ROW_BLK, 16), lambda i: (i, 0)),
                pl.BlockSpec((ROW_BLK, 16), lambda i: (i, 0)),
                pl.BlockSpec((ROW_BLK, D_HID), lambda i: (i, 0)),
                pl.BlockSpec((1, D_HID), lambda i: (0, 0)),
                pl.BlockSpec((D_HID, 2 * D_OUT), lambda i: (0, 0)),
                pl.BlockSpec((1, D_OUT), lambda i: (0, 0))],
      out_specs=[pl.BlockSpec((ROW_BLK, D_OUT), lambda i: (i, 0)),
                 pl.BlockSpec((ROW_BLK, D_OUT), lambda i: (i, 0))],
      out_shape=[jax.ShapeDtypeStruct((N_NODES, D_OUT), jnp.float32),
                 jax.ShapeDtypeStruct((N_NODES, D_OUT), jnp.float32)],
  )(agg_a, agg_b, deg_a, deg_b, z1, bl1, wcat, bl2)


def _tc_out(agg_a, agg_b, deg_a, deg_b, z2):
  def body(a_ref, b_ref, da_ref, db_ref, z2_ref, o_ref):
    deg = da_ref[:, 0:1] + db_ref[:, 0:1]
    inv = 1.0 / jnp.maximum(deg, 1.0)
    o = (a_ref[...] + b_ref[...]) * inv + z2_ref[...]
    m = jnp.max(o, axis=1, keepdims=True)
    e = jnp.exp(o - m)
    o_ref[...] = o - m - jnp.log(jnp.sum(e, axis=1, keepdims=True))

  return pl.pallas_call(
      body,
      grid=(N_NODES // ROW_BLK,),
      in_specs=[pl.BlockSpec((ROW_BLK, D_OUT), lambda i: (i, 0)),
                pl.BlockSpec((ROW_BLK, D_OUT), lambda i: (i, 0)),
                pl.BlockSpec((ROW_BLK, 16), lambda i: (i, 0)),
                pl.BlockSpec((ROW_BLK, 16), lambda i: (i, 0)),
                pl.BlockSpec((ROW_BLK, D_OUT), lambda i: (i, 0))],
      out_specs=pl.BlockSpec((ROW_BLK, D_OUT), lambda i: (i, 0)),
      out_shape=jax.ShapeDtypeStruct((N_NODES, D_OUT), jnp.float32),
  )(agg_a, agg_b, deg_a, deg_b, z2)



_sc_agg1 = _make_sc_aggregate(64, with_deg=True, edge_split=False,
                              s_t=160, ph=80, nbuf=6, sdepth=3)
_sc_agg2 = _make_sc_aggregate(64, with_deg=False, edge_split=True,
                              s_t=80, ph=80, nbuf=8, sdepth=4)


def kernel(x, edge_index, Wl1, bl1, Wr1, Wl2, bl2, Wr2):
  src = edge_index[0].astype(jnp.int32)
  dst = edge_index[1].astype(jnp.int32)
  pad = E_PAD - N_EDGES
  pad_ar = jnp.arange(pad, dtype=jnp.int32)
  pad_dst = N_NODES + pad_ar % (N_PAD - N_NODES)
  src2d = jnp.concatenate([src, pad_ar % N_NODES]).reshape(-1, STEP)
  dst2d = jnp.concatenate([dst, pad_dst]).reshape(-1, STEP)

  zf64 = jnp.zeros((N_PAD, 64), jnp.float32)
  zd = jnp.zeros((N_PAD, 16), jnp.float32)
  ones = jnp.ones((STEP, 16), jnp.float32)

  w1cat = jnp.concatenate([Wl1.T, Wr1.T], axis=1)
  w2cat = jnp.concatenate([Wl2.T, Wr2.T], axis=1)

  ytab1, z1 = _tc_layer1(x, w1cat)
  agg1a, agg1b, dega, degb = _sc_agg1(ytab1, src2d, dst2d, zf64, zd, ones)
  ytab2, z2 = _tc_layer2(agg1a, agg1b, dega, degb,
                         z1, bl1.reshape(1, -1), w2cat, bl2.reshape(1, -1))
  agg2a, agg2b = _sc_agg2(ytab2, src2d, dst2d, zf64)
  return _tc_out(agg2a, agg2b, dega, degb, z2)

# --- scband reference (transcript-rebuilt; emitter-appended) ---
"""Pipeline reference for scband-graph-sage-51591147159576 (READ-ONLY COPY).

The authoritative reference and input builder live on the scoring server;
editing this copy changes nothing except your own understanding.
"""

import jax, jax.numpy as jnp
import numpy as np

N_NODES = 10000
N_EDGES = 320000
D_IN = 128
D_HID = 128
D_OUT = 64


def setup_inputs(seed: int = 0) -> dict:
    key = jax.random.key(seed)
    ks = jax.random.split(key, 8)
    x = jax.random.normal(ks[0], (N_NODES, D_IN), dtype=jnp.float32)
    edge_index = jax.random.randint(ks[1], (2, N_EDGES), 0, N_NODES, dtype=jnp.int64) if jax.config.jax_enable_x64 else jax.random.randint(ks[1], (2, N_EDGES), 0, N_NODES).astype(jnp.int32)
    s1 = 1.0 / np.sqrt(D_IN)
    s2 = 1.0 / np.sqrt(D_HID)
    Wl1 = jax.random.uniform(ks[2], (D_HID, D_IN), jnp.float32, -s1, s1)
    bl1 = jnp.zeros((D_HID,), jnp.float32)
    Wr1 = jax.random.uniform(ks[3], (D_HID, D_IN), jnp.float32, -s1, s1)
    Wl2 = jax.random.uniform(ks[4], (D_OUT, D_HID), jnp.float32, -s2, s2)
    bl2 = jnp.zeros((D_OUT,), jnp.float32)
    Wr2 = jax.random.uniform(ks[5], (D_OUT, D_HID), jnp.float32, -s2, s2)
    return {"x": x, "edge_index": edge_index, "Wl1": Wl1, "bl1": bl1, "Wr1": Wr1, "Wl2": Wl2, "bl2": bl2, "Wr2": Wr2}


def _sage_conv(x, edge_index, Wl, bl, Wr):
    # PyG-style SAGEConv with mean aggregation:
    # out = lin_l(mean_{j in N(i)} x_j) + lin_r(x_i)
    src = edge_index[0]
    dst = edge_index[1]
    msgs = jnp.take(x, src, axis=0)                       # gather (SparseCore)
    agg = jax.ops.segment_sum(msgs, dst, num_segments=N_NODES)  # scatter-add
    deg = jax.ops.segment_sum(jnp.ones((src.shape[0],), jnp.float32), dst, num_segments=N_NODES)
    mean = agg / jnp.maximum(deg, 1.0)[:, None]
    return mean @ Wl.T + bl + x @ Wr.T


def reference(x, edge_index, Wl1, bl1, Wr1, Wl2, bl2, Wr2):
    h = _sage_conv(x, edge_index, Wl1, bl1, Wr1)
    h = jax.nn.relu(h)
    # dropout: identity in eval mode (deterministic reference)
    out = _sage_conv(h, edge_index, Wl2, bl2, Wr2)
    return jax.nn.log_softmax(out, axis=1)

if __name__ == "__main__":
    import jax
    _d = setup_inputs()
    print(jax.jit(kernel)(*tuple(_d.values())))

</pallas_src>

<mosaic_0001>
#map = affine_map<(d0, d1) -> (0, 0, 0)>
#map1 = affine_map<(d0, d1) -> (0, 0)>
module attributes {stable_mosaic.version = 14 : i64} {
  func.func @body(%arg0: i32, %arg1: i32, %arg2: memref<2x10000x64xf32, #tpu.memory_space<hbm>>, %arg3: memref<2560x128xi32, #tpu.memory_space<hbm>>, %arg4: memref<2560x128xi32, #tpu.memory_space<hbm>>, %arg5: memref<10112x64xf32, #tpu.memory_space<hbm>>, %arg6: memref<10112x16xf32, #tpu.memory_space<hbm>>, %arg7: memref<128x16xf32, #tpu.memory_space<hbm>>, %arg8: memref<10112x64xf32, #tpu.memory_space<hbm>>, %arg9: memref<10112x64xf32, #tpu.memory_space<hbm>>, %arg10: memref<10112x16xf32, #tpu.memory_space<hbm>>, %arg11: memref<10112x16xf32, #tpu.memory_space<hbm>>, %arg12: memref<80x128xi32, #tpu.memory_space<vmem>>, %arg13: memref<80x128xi32, #tpu.memory_space<vmem>>, %arg14: memref<6x128x64xf32, #tpu.memory_space<vmem>>, %arg15: memref<10112x64xf32, #tpu.memory_space<vmem_shared>>, %arg16: memref<!tpu.dma_semaphore, #tpu.memory_space<semaphore_mem>>, %arg17: memref<!tpu.dma_semaphore, #tpu.memory_space<semaphore_mem>>, %arg18: memref<128x16xf32, #tpu.memory_space<vmem>>, %arg19: memref<10112x16xf32, #tpu.memory_space<vmem_shared>>, %arg20: memref<!tpu.dma_semaphore, #tpu.memory_space<semaphore_mem>>) attributes {dimension_semantics = [#tpu.dimension_semantics<core_parallel>, #tpu.dimension_semantics<subcore_parallel>], iteration_bounds = array<i64: 2, 16>, scalar_prefetch = 0 : i64, scratch_operands = 9 : i64, tpu.core_type = #tpu.core_type<sc_vector_subcore>, window_params = [{transform_indices = #map}, {transform_indices = #map1}, {transform_indices = #map1}, {transform_indices = #map1}, {transform_indices = #map1}, {transform_indices = #map1}, {transform_indices = #map1}, {transform_indices = #map1}, {transform_indices = #map1}, {transform_indices = #map1}]} {
    %mul3A = arith.constant 632 : i32
    %mul3A_0 = arith.muli %arg1, %mul3A : i32
    %mul3A_1 = arith.constant 160 : i32
    %mul3A_2 = arith.muli %arg1, %mul3A_1 : i32
    "tpu.region"() ({
      %run_scoped3A = tpu.sem_alloc : memref<!tpu.dma_semaphore, #tpu.memory_space<semaphore_mem>>
      %dma_start3A = arith.constant 0 : i32
      %dma_start3A_16 = tpu.memref_slice %arg15[%mul3A_0, %dma_start3A] : memref<10112x64xf32, #tpu.memory_space<vmem_shared>> -> memref<632x64xf32, #tpu.memory_space<vmem_shared>>
      %dma_start3A_17 = arith.constant 0 : i32
      %dma_start3A_18 = tpu.memref_slice %arg5[%mul3A_0, %dma_start3A_17] : memref<10112x64xf32, #tpu.memory_space<hbm>> -> memref<632x64xf32, #tpu.memory_space<hbm>>
      tpu.enqueue_dma source(%dma_start3A_18 : memref<632x64xf32, #tpu.memory_space<hbm>>) target(%dma_start3A_16 : memref<632x64xf32, #tpu.memory_space<vmem_shared>>) target_semaphore(%run_scoped3A : memref<!tpu.dma_semaphore, #tpu.memory_space<semaphore_mem>>)
      %dma_wait3A = arith.constant 0 : i32
      %dma_wait3A_19 = tpu.memref_slice %arg15[%mul3A_0, %dma_wait3A] : memref<10112x64xf32, #tpu.memory_space<vmem_shared>> -> memref<632x64xf32, #tpu.memory_space<vmem_shared>>
      %dma_wait3A_20 = arith.constant 0 : i32
      %dma_wait3A_21 = tpu.memref_slice %arg5[%mul3A_0, %dma_wait3A_20] : memref<10112x64xf32, #tpu.memory_space<hbm>> -> memref<632x64xf32, #tpu.memory_space<hbm>>
      tpu.wait_dma2 semaphore(%run_scoped3A : memref<!tpu.dma_semaphore, #tpu.memory_space<semaphore_mem>>) src(%dma_wait3A_21 : memref<632x64xf32, #tpu.memory_space<hbm>>) dst(%dma_wait3A_19 : memref<632x64xf32, #tpu.memory_space<vmem_shared>>)
      tpu.yield
    }) : () -> ()
    "tpu.region"() ({
      %run_scoped3A = tpu.sem_alloc : memref<!tpu.dma_semaphore, #tpu.memory_space<semaphore_mem>>
      %dma_start3A = arith.constant 0 : i32
      %dma_start3A_16 = tpu.memref_slice %arg19[%mul3A_0, %dma_start3A] : memref<10112x16xf32, #tpu.memory_space<vmem_shared>> -> memref<632x16xf32, #tpu.memory_space<vmem_shared>>
      %dma_start3A_17 = arith.constant 0 : i32
      %dma_start3A_18 = tpu.memref_slice %arg6[%mul3A_0, %dma_start3A_17] : memref<10112x16xf32, #tpu.memory_space<hbm>> -> memref<632x16xf32, #tpu.memory_space<hbm>>
      tpu.enqueue_dma source(%dma_start3A_18 : memref<632x16xf32, #tpu.memory_space<hbm>>) target(%dma_start3A_16 : memref<632x16xf32, #tpu.memory_space<vmem_shared>>) target_semaphore(%run_scoped3A : memref<!tpu.dma_semaphore, #tpu.memory_space<semaphore_mem>>)
      %dma_wait3A = arith.constant 0 : i32
      %dma_wait3A_19 = tpu.memref_slice %arg19[%mul3A_0, %dma_wait3A] : memref<10112x16xf32, #tpu.memory_space<vmem_shared>> -> memref<632x16xf32, #tpu.memory_space<vmem_shared>>
      %dma_wait3A_20 = arith.constant 0 : i32
      %dma_wait3A_21 = tpu.memref_slice %arg6[%mul3A_0, %dma_wait3A_20] : memref<10112x16xf32, #tpu.memory_space<hbm>> -> memref<632x16xf32, #tpu.memory_space<hbm>>
      tpu.wait_dma2 semaphore(%run_scoped3A : memref<!tpu.dma_semaphore, #tpu.memory_space<semaphore_mem>>) src(%dma_wait3A_21 : memref<632x16xf32, #tpu.memory_space<hbm>>) dst(%dma_wait3A_19 : memref<632x16xf32, #tpu.memory_space<vmem_shared>>)
      tpu.yield
    }) : () -> ()
    "tpu.region"() ({
      %run_scoped3A = tpu.sem_alloc : memref<!tpu.dma_semaphore, #tpu.memory_space<semaphore_mem>>
      tpu.enqueue_dma source(%arg7 : memref<128x16xf32, #tpu.memory_space<hbm>>) target(%arg18 : memref<128x16xf32, #tpu.memory_space<vmem>>) target_semaphore(%run_scoped3A : memref<!tpu.dma_semaphore, #tpu.memory_space<semaphore_mem>>)
      tpu.wait_dma2 semaphore(%run_scoped3A : memref<!tpu.dma_semaphore, #tpu.memory_space<semaphore_mem>>) src(%arg7 : memref<128x16xf32, #tpu.memory_space<hbm>>) dst(%arg18 : memref<128x16xf32, #tpu.memory_space<vmem>>)
      tpu.yield
    }) : () -> ()
    %barrier3A = arith.constant 0 : index
    tpu.barrier barrier_id(%barrier3A)
    %scan3A = arith.constant 0 : i32
    %scan3A_3 = arith.constant 0 : i32
    %scan3A_4 = arith.constant 2 : i32
    %scan3A_5 = arith.addi %scan3A_3, %scan3A_4 : i32
    %scan3A_6 = arith.constant 1 : i32
    scf.for %scan3A_16 = %scan3A_3 to %scan3A_5 step %scan3A_6  : i32 {
      %mul3A_17 = arith.constant 80 : i32
      %mul3A_18 = arith.muli %scan3A_16, %mul3A_17 : i32
      %add3A = arith.addi %mul3A_2, %mul3A_18 : i32
      "tpu.region"() ({
        %run_scoped3A = tpu.sem_alloc : memref<!tpu.dma_semaphore, #tpu.memory_space<semaphore_mem>>
        %dma_start3A_127 = arith.constant 0 : i32
        %dma_start3A_128 = tpu.memref_slice %arg3[%add3A, %dma_start3A_127] : memref<2560x128xi32, #tpu.memory_space<hbm>> -> memref<80x128xi32, #tpu.memory_space<hbm>>
        %dma_start3A_129 = arith.constant 0 : i32
        %dma_start3A_130 = tpu.memref_slice %arg3[%add3A, %dma_start3A_129] : memref<2560x128xi32, #tpu.memory_space<hbm>> -> memref<80x128xi32, #tpu.memory_space<hbm>>
        tpu.enqueue_dma source(%dma_start3A_130 : memref<80x128xi32, #tpu.memory_space<hbm>>) target(%arg12 : memref<80x128xi32, #tpu.memory_space<vmem>>) target_semaphore(%run_scoped3A : memref<!tpu.dma_semaphore, #tpu.memory_space<semaphore_mem>>)
        %dma_wait3A_131 = arith.constant 0 : i32
        %dma_wait3A_132 = tpu.memref_slice %arg3[%add3A, %dma_wait3A_131] : memref<2560x128xi32, #tpu.memory_space<hbm>> -> memref<80x128xi32, #tpu.memory_space<hbm>>
        %dma_wait3A_133 = arith.constant 0 : i32
        %dma_wait3A_134 = tpu.memref_slice %arg3[%add3A, %dma_wait3A_133] : memref<2560x128xi32, #tpu.memory_space<hbm>> -> memref<80x128xi32, #tpu.memory_space<hbm>>
        tpu.wait_dma2 semaphore(%run_scoped3A : memref<!tpu.dma_semaphore, #tpu.memory_space<semaphore_mem>>) src(%dma_wait3A_134 : memref<80x128xi32, #tpu.memory_space<hbm>>) dst(%arg12 : memref<80x128xi32, #tpu.memory_space<vmem>>)
        tpu.yield
      }) : () -> ()
      %mul3A_19 = arith.constant 80 : i32
      %mul3A_20 = arith.muli %scan3A_16, %mul3A_19 : i32
      %add3A_21 = arith.addi %mul3A_2, %mul3A_20 : i32
      "tpu.region"() ({
        %run_scoped3A = tpu.sem_alloc : memref<!tpu.dma_semaphore, #tpu.memory_space<semaphore_mem>>
        %dma_start3A_127 = arith.constant 0 : i32
        %dma_start3A_128 = tpu.memref_slice %arg4[%add3A_21, %dma_start3A_127] : memref<2560x128xi32, #tpu.memory_space<hbm>> -> memref<80x128xi32, #tpu.memory_space<hbm>>
        %dma_start3A_129 = arith.constant 0 : i32
        %dma_start3A_130 = tpu.memref_slice %arg4[%add3A_21, %dma_start3A_129] : memref<2560x128xi32, #tpu.memory_space<hbm>> -> memref<80x128xi32, #tpu.memory_space<hbm>>
        tpu.enqueue_dma source(%dma_start3A_130 : memref<80x128xi32, #tpu.memory_space<hbm>>) target(%arg13 : memref<80x128xi32, #tpu.memory_space<vmem>>) target_semaphore(%run_scoped3A : memref<!tpu.dma_semaphore, #tpu.memory_space<semaphore_mem>>)
        %dma_wait3A_131 = arith.constant 0 : i32
        %dma_wait3A_132 = tpu.memref_slice %arg4[%add3A_21, %dma_wait3A_131] : memref<2560x128xi32, #tpu.memory_space<hbm>> -> memref<80x128xi32, #tpu.memory_space<hbm>>
        %dma_wait3A_133 = arith.constant 0 : i32
        %dma_wait3A_134 = tpu.memref_slice %arg4[%add3A_21, %dma_wait3A_133] : memref<2560x128xi32, #tpu.memory_space<hbm>> -> memref<80x128xi32, #tpu.memory_space<hbm>>
        tpu.wait_dma2 semaphore(%run_scoped3A : memref<!tpu.dma_semaphore, #tpu.memory_space<semaphore_mem>>) src(%dma_wait3A_134 : memref<80x128xi32, #tpu.memory_space<hbm>>) dst(%arg13 : memref<80x128xi32, #tpu.memory_space<vmem>>)
        tpu.yield
      }) : () -> ()
      %eq3A_22 = arith.constant 0 : i32
      %eq3A_23 = arith.cmpi eq, %arg0, %eq3A_22 : i32
      %mul3A_24 = arith.constant 80 : i32
      %mul3A_25 = arith.muli %scan3A_16, %mul3A_24 : i32
      %lt3A = arith.constant 80 : i32
      %lt3A_26 = arith.cmpi slt, %mul3A_25, %lt3A : i32
      %mul3A_27 = arith.constant 80 : i32
      %mul3A_28 = arith.muli %scan3A_16, %mul3A_27 : i32
      %ge3A = arith.constant 80 : i32
      %ge3A_29 = arith.cmpi sge, %mul3A_28, %ge3A : i32
      %select_n3A = arith.select %eq3A_23, %lt3A_26, %ge3A_29 : i1
      %dma_start3A = arith.constant 0 : i32
      %dma_start3A_30 = arith.constant 0 : i32
      %dma_start3A_31 = arith.constant 0 : i32
      %dma_start3A_32 = arith.constant 0 : i32
      %dma_start3A_33 = tpu.memref_slice %arg14[%dma_start3A_30, %dma_start3A_31, %dma_start3A_32] : memref<6x128x64xf32, #tpu.memory_space<vmem>> -> memref<1x128x64xf32, #tpu.memory_space<vmem>>
      %dma_start3A_34 = tpu.memref_squeeze %dma_start3A_33 : memref<1x128x64xf32, #tpu.memory_space<vmem>> -> memref<128x64xf32, #tpu.memory_space<vmem>>
      %dma_start3A_35 = arith.constant 0 : i32
      %dma_start3A_36 = tpu.memref_slice %arg12[%dma_start3A, %dma_start3A_35] : memref<80x128xi32, #tpu.memory_space<vmem>> -> memref<1x128xi32, #tpu.memory_space<vmem>>
      %dma_start3A_37 = tpu.memref_squeeze %dma_start3A_36 : memref<1x128xi32, #tpu.memory_space<vmem>> -> memref<128xi32, #tpu.memory_space<vmem>>
      %dma_start3A_38 = arith.constant 0 : i32
      %dma_start3A_39 = arith.constant 0 : i32
      %dma_start3A_40 = tpu.memref_slice %arg2[%arg0, %dma_start3A_38, %dma_start3A_39] : memref<2x10000x64xf32, #tpu.memory_space<hbm>> -> memref<1x10000x64xf32, #tpu.memory_space<hbm>>
      %dma_start3A_41 = tpu.memref_squeeze %dma_start3A_40 : memref<1x10000x64xf32, #tpu.memory_space<hbm>> -> memref<10000x64xf32, #tpu.memory_space<hbm>>
      %dma_start3A_42 = arith.constant 0 : i32
      %dma_start3A_43 = arith.constant 0 : i32
      %dma_start3A_44 = tpu.memref_slice %dma_start3A_41[%dma_start3A_42, %dma_start3A_43] : memref<10000x64xf32, #tpu.memory_space<hbm>> -> memref<10000x64xf32, #tpu.memory_space<hbm>>
      tpu.enqueue_indirect_dma source(%dma_start3A_44 : memref<10000x64xf32, #tpu.memory_space<hbm>>) target(%dma_start3A_34 : memref<128x64xf32, #tpu.memory_space<vmem>>) offsets(%dma_start3A_37 : memref<128xi32, #tpu.memory_space<vmem>>) semaphore(%arg16 : memref<!tpu.dma_semaphore, #tpu.memory_space<semaphore_mem>>)
      %dma_start3A_45 = arith.constant 1 : i32
      %dma_start3A_46 = arith.constant 1 : i32
      %dma_start3A_47 = arith.constant 0 : i32
      %dma_start3A_48 = arith.constant 0 : i32
      %dma_start3A_49 = tpu.memref_slice %arg14[%dma_start3A_46, %dma_start3A_47, %dma_start3A_48] : memref<6x128x64xf32, #tpu.memory_space<vmem>> -> memref<1x128x64xf32, #tpu.memory_space<vmem>>
      %dma_start3A_50 = tpu.memref_squeeze %dma_start3A_49 : memref<1x128x64xf32, #tpu.memory_space<vmem>> -> memref<128x64xf32, #tpu.memory_space<vmem>>
      %dma_start3A_51 = arith.constant 0 : i32
      %dma_start3A_52 = tpu.memref_slice %arg12[%dma_start3A_45, %dma_start3A_51] : memref<80x128xi32, #tpu.memory_space<vmem>> -> memref<1x128xi32, #tpu.memory_space<vmem>>
      %dma_start3A_53 = tpu.memref_squeeze %dma_start3A_52 : memref<1x128xi32, #tpu.memory_space<vmem>> -> memref<128xi32, #tpu.memory_space<vmem>>
      %dma_start3A_54 = arith.constant 0 : i32
      %dma_start3A_55 = arith.constant 0 : i32
      %dma_start3A_56 = tpu.memref_slice %arg2[%arg0, %dma_start3A_54, %dma_start3A_55] : memref<2x10000x64xf32, #tpu.memory_space<hbm>> -> memref<1x10000x64xf32, #tpu.memory_space<hbm>>
      %dma_start3A_57 = tpu.memref_squeeze %dma_start3A_56 : memref<1x10000x64xf32, #tpu.memory_space<hbm>> -> memref<10000x64xf32, #tpu.memory_space<hbm>>
      %dma_start3A_58 = arith.constant 0 : i32
      %dma_start3A_59 = arith.constant 0 : i32
      %dma_start3A_60 = tpu.memref_slice %dma_start3A_57[%dma_start3A_58, %dma_start3A_59] : memref<10000x64xf32, #tpu.memory_space<hbm>> -> memref<10000x64xf32, #tpu.memory_space<hbm>>
      tpu.enqueue_indirect_dma source(%dma_start3A_60 : memref<10000x64xf32, #tpu.memory_space<hbm>>) target(%dma_start3A_50 : memref<128x64xf32, #tpu.memory_space<vmem>>) offsets(%dma_start3A_53 : memref<128xi32, #tpu.memory_space<vmem>>) semaphore(%arg16 : memref<!tpu.dma_semaphore, #tpu.memory_space<semaphore_mem>>)
      %dma_start3A_61 = arith.constant 2 : i32
      %dma_start3A_62 = arith.constant 2 : i32
      %dma_start3A_63 = arith.constant 0 : i32
      %dma_start3A_64 = arith.constant 0 : i32
      %dma_start3A_65 = tpu.memref_slice %arg14[%dma_start3A_62, %dma_start3A_63, %dma_start3A_64] : memref<6x128x64xf32, #tpu.memory_space<vmem>> -> memref<1x128x64xf32, #tpu.memory_space<vmem>>
      %dma_start3A_66 = tpu.memref_squeeze %dma_start3A_65 : memref<1x128x64xf32, #tpu.memory_space<vmem>> -> memref<128x64xf32, #tpu.memory_space<vmem>>
      %dma_start3A_67 = arith.constant 0 : i32
      %dma_start3A_68 = tpu.memref_slice %arg12[%dma_start3A_61, %dma_start3A_67] : memref<80x128xi32, #tpu.memory_space<vmem>> -> memref<1x128xi32, #tpu.memory_space<vmem>>
      %dma_start3A_69 = tpu.memref_squeeze %dma_start3A_68 : memref<1x128xi32, #tpu.memory_space<vmem>> -> memref<128xi32, #tpu.memory_space<vmem>>
      %dma_start3A_70 = arith.constant 0 : i32
      %dma_start3A_71 = arith.constant 0 : i32
      %dma_start3A_72 = tpu.memref_slice %arg2[%arg0, %dma_start3A_70, %dma_start3A_71] : memref<2x10000x64xf32, #tpu.memory_space<hbm>> -> memref<1x10000x64xf32, #tpu.memory_space<hbm>>
      %dma_start3A_73 = tpu.memref_squeeze %dma_start3A_72 : memref<1x10000x64xf32, #tpu.memory_space<hbm>> -> memref<10000x64xf32, #tpu.memory_space<hbm>>
      %dma_start3A_74 = arith.constant 0 : i32
      %dma_start3A_75 = arith.constant 0 : i32
      %dma_start3A_76 = tpu.memref_slice %dma_start3A_73[%dma_start3A_74, %dma_start3A_75] : memref<10000x64xf32, #tpu.memory_space<hbm>> -> memref<10000x64xf32, #tpu.memory_space<hbm>>
      tpu.enqueue_indirect_dma source(%dma_start3A_76 : memref<10000x64xf32, #tpu.memory_space<hbm>>) target(%dma_start3A_66 : memref<128x64xf32, #tpu.memory_space<vmem>>) offsets(%dma_start3A_69 : memref<128xi32, #tpu.memory_space<vmem>>) semaphore(%arg16 : memref<!tpu.dma_semaphore, #tpu.memory_space<semaphore_mem>>)
      %scan3A_77 = arith.constant 0 : i32
      %scan3A_78 = arith.constant 0 : i32
      %scan3A_79 = arith.constant 80 : i32
      %scan3A_80 = arith.addi %scan3A_78, %scan3A_79 : i32
      %scan3A_81 = arith.constant 1 : i32
      scf.for %scan3A_127 = %scan3A_78 to %scan3A_80 step %scan3A_81  : i32 {
        %jit3A = arith.constant 6 : i32
        %eq3A_128 = arith.constant 0 : i32
        %eq3A_129 = arith.cmpi eq, %jit3A, %eq3A_128 : i32
        %jit3A_130 = arith.constant 1 : i32
        %select_n3A_131 = arith.select %eq3A_129, %jit3A_130, %jit3A : i32
        %rem3A = arith.remsi %scan3A_127, %select_n3A_131 : i32
        %ne3A = arith.constant 0 : i32
        %ne3A_132 = arith.cmpi ne, %rem3A, %ne3A : i32
        %lt3A_133 = arith.constant 0 : i32
        %lt3A_134 = arith.cmpi slt, %rem3A, %lt3A_133 : i32
        %lt3A_135 = arith.constant 0 : i32
        %lt3A_136 = arith.cmpi slt, %select_n3A_131, %lt3A_135 : i32
        %ne3A_137 = arith.xori %lt3A_134, %lt3A_136 : i1
        %and3A = arith.andi %ne3A_137, %ne3A_132 : i1
        %add3A_138 = arith.addi %rem3A, %select_n3A_131 : i32
        %select_n3A_139 = arith.select %and3A, %add3A_138, %rem3A : i32
        %dma_wait3A_140 = arith.constant 0 : i32
        %dma_wait3A_141 = arith.constant 0 : i32
        %dma_wait3A_142 = tpu.memref_slice %arg14[%select_n3A_139, %dma_wait3A_140, %dma_wait3A_141] : memref<6x128x64xf32, #tpu.memory_space<vmem>> -> memref<1x128x64xf32, #tpu.memory_space<vmem>>
        %dma_wait3A_143 = tpu.memref_squeeze %dma_wait3A_142 : memref<1x128x64xf32, #tpu.memory_space<vmem>> -> memref<128x64xf32, #tpu.memory_space<vmem>>
        %dma_wait3A_144 = arith.constant 0 : i32
        %dma_wait3A_145 = tpu.memref_slice %arg12[%scan3A_127, %dma_wait3A_144] : memref<80x128xi32, #tpu.memory_space<vmem>> -> memref<1x128xi32, #tpu.memory_space<vmem>>
        %dma_wait3A_146 = tpu.memref_squeeze %dma_wait3A_145 : memref<1x128xi32, #tpu.memory_space<vmem>> -> memref<128xi32, #tpu.memory_space<vmem>>
        %dma_wait3A_147 = arith.constant 0 : i32
        %dma_wait3A_148 = arith.constant 0 : i32
        %dma_wait3A_149 = tpu.memref_slice %arg2[%arg0, %dma_wait3A_147, %dma_wait3A_148] : memref<2x10000x64xf32, #tpu.memory_space<hbm>> -> memref<1x10000x64xf32, #tpu.memory_space<hbm>>
        %dma_wait3A_150 = tpu.memref_squeeze %dma_wait3A_149 : memref<1x10000x64xf32, #tpu.memory_space<hbm>> -> memref<10000x64xf32, #tpu.memory_space<hbm>>
        %dma_wait3A_151 = arith.constant 0 : i32
        %dma_wait3A_152 = arith.constant 0 : i32
        %dma_wait3A_153 = tpu.memref_slice %dma_wait3A_150[%dma_wait3A_151, %dma_wait3A_152] : memref<10000x64xf32, #tpu.memory_space<hbm>> -> memref<10000x64xf32, #tpu.memory_space<hbm>>
        tpu.wait_indirect_dma semaphore(%arg16 : memref<!tpu.dma_semaphore, #tpu.memory_space<semaphore_mem>>) src(%dma_wait3A_153 : memref<10000x64xf32, #tpu.memory_space<hbm>>) dst(%dma_wait3A_143 : memref<128x64xf32, #tpu.memory_space<vmem>>)
        %dma_start3A_154 = arith.constant 0 : i32
        %dma_start3A_155 = arith.constant 0 : i32
        %dma_start3A_156 = tpu.memref_slice %arg14[%select_n3A_139, %dma_start3A_154, %dma_start3A_155] : memref<6x128x64xf32, #tpu.memory_space<vmem>> -> memref<1x128x64xf32, #tpu.memory_space<vmem>>
        %dma_start3A_157 = tpu.memref_squeeze %dma_start3A_156 : memref<1x128x64xf32, #tpu.memory_space<vmem>> -> memref<128x64xf32, #tpu.memory_space<vmem>>
        %dma_start3A_158 = arith.constant 0 : i32
        %dma_start3A_159 = tpu.memref_slice %arg13[%scan3A_127, %dma_start3A_158] : memref<80x128xi32, #tpu.memory_space<vmem>> -> memref<1x128xi32, #tpu.memory_space<vmem>>
        %dma_start3A_160 = tpu.memref_squeeze %dma_start3A_159 : memref<1x128xi32, #tpu.memory_space<vmem>> -> memref<128xi32, #tpu.memory_space<vmem>>
        %dma_start3A_161 = arith.constant 0 : i32
        %dma_start3A_162 = arith.constant 0 : i32
        %dma_start3A_163 = tpu.memref_slice %arg15[%dma_start3A_161, %dma_start3A_162] : memref<10112x64xf32, #tpu.memory_space<vmem_shared>> -> memref<10112x64xf32, #tpu.memory_space<vmem_shared>>
        tpu.enqueue_indirect_dma source(%dma_start3A_157 : memref<128x64xf32, #tpu.memory_space<vmem>>) target(%dma_start3A_163 : memref<10112x64xf32, #tpu.memory_space<vmem_shared>>) offsets(%dma_start3A_160 : memref<128xi32, #tpu.memory_space<vmem>>) semaphore(%arg17 : memref<!tpu.dma_semaphore, #tpu.memory_space<semaphore_mem>>) {add = true}
        %convert_element_type3A_164 = arith.extui %select_n3A : i1 to i32
        %cond3A_165 = arith.constant 0 : i32
        %cond3A_166 = arith.cmpi ne, %convert_element_type3A_164, %cond3A_165 : i32
        scf.if %cond3A_166 {
          %dma_start3A_179 = arith.constant 0 : i32
          %dma_start3A_180 = tpu.memref_slice %arg13[%scan3A_127, %dma_start3A_179] : memref<80x128xi32, #tpu.memory_space<vmem>> -> memref<1x128xi32, #tpu.memory_space<vmem>>
          %dma_start3A_181 = tpu.memref_squeeze %dma_start3A_180 : memref<1x128xi32, #tpu.memory_space<vmem>> -> memref<128xi32, #tpu.memory_space<vmem>>
          %dma_start3A_182 = arith.constant 0 : i32
          %dma_start3A_183 = arith.constant 0 : i32
          %dma_start3A_184 = tpu.memref_slice %arg19[%dma_start3A_182, %dma_start3A_183] : memref<10112x16xf32, #tpu.memory_space<vmem_shared>> -> memref<10112x16xf32, #tpu.memory_space<vmem_shared>>
          tpu.enqueue_indirect_dma source(%arg18 : memref<128x16xf32, #tpu.memory_space<vmem>>) target(%dma_start3A_184 : memref<10112x16xf32, #tpu.memory_space<vmem_shared>>) offsets(%dma_start3A_181 : memref<128xi32, #tpu.memory_space<vmem>>) semaphore(%arg20 : memref<!tpu.dma_semaphore, #tpu.memory_space<semaphore_mem>>) {add = true}
        } else {
        }
        %ge3A_167 = arith.constant 3 : i32
        %ge3A_168 = arith.cmpi sge, %scan3A_127, %ge3A_167 : i32
        %convert_element_type3A_169 = arith.extui %ge3A_168 : i1 to i32
        %cond3A_170 = arith.constant 0 : i32
        %cond3A_171 = arith.cmpi ne, %convert_element_type3A_169, %cond3A_170 : i32
        scf.if %cond3A_171 {
          %sub3A = arith.constant 3 : i32
          %sub3A_179 = arith.subi %scan3A_127, %sub3A : i32
          %jit3A_180 = arith.constant 6 : i32
          %eq3A_181 = arith.constant 0 : i32
          %eq3A_182 = arith.cmpi eq, %jit3A_180, %eq3A_181 : i32
          %jit3A_183 = arith.constant 1 : i32
          %select_n3A_184 = arith.select %eq3A_182, %jit3A_183, %jit3A_180 : i32
          %rem3A_185 = arith.remsi %sub3A_179, %select_n3A_184 : i32
          %ne3A_186 = arith.constant 0 : i32
          %ne3A_187 = arith.cmpi ne, %rem3A_185, %ne3A_186 : i32
          %lt3A_188 = arith.constant 0 : i32
          %lt3A_189 = arith.cmpi slt, %rem3A_185, %lt3A_188 : i32
          %lt3A_190 = arith.constant 0 : i32
          %lt3A_191 = arith.cmpi slt, %select_n3A_184, %lt3A_190 : i32
          %ne3A_192 = arith.xori %lt3A_189, %lt3A_191 : i1
          %and3A_193 = arith.andi %ne3A_192, %ne3A_187 : i1
          %add3A_194 = arith.addi %rem3A_185, %select_n3A_184 : i32
          %select_n3A_195 = arith.select %and3A_193, %add3A_194, %rem3A_185 : i32
          %sub3A_196 = arith.constant 3 : i32
          %sub3A_197 = arith.subi %scan3A_127, %sub3A_196 : i32
          %dma_wait3A_198 = arith.constant 0 : i32
          %dma_wait3A_199 = arith.constant 0 : i32
          %dma_wait3A_200 = tpu.memref_slice %arg14[%select_n3A_195, %dma_wait3A_198, %dma_wait3A_199] : memref<6x128x64xf32, #tpu.memory_space<vmem>> -> memref<1x128x64xf32, #tpu.memory_space<vmem>>
          %dma_wait3A_201 = tpu.memref_squeeze %dma_wait3A_200 : memref<1x128x64xf32, #tpu.memory_space<vmem>> -> memref<128x64xf32, #tpu.memory_space<vmem>>
          %dma_wait3A_202 = arith.constant 0 : i32
          %dma_wait3A_203 = tpu.memref_slice %arg13[%sub3A_197, %dma_wait3A_202] : memref<80x128xi32, #tpu.memory_space<vmem>> -> memref<1x128xi32, #tpu.memory_space<vmem>>
          %dma_wait3A_204 = tpu.memref_squeeze %dma_wait3A_203 : memref<1x128xi32, #tpu.memory_space<vmem>> -> memref<128xi32, #tpu.memory_space<vmem>>
          %dma_wait3A_205 = arith.constant 0 : i32
          %dma_wait3A_206 = arith.constant 0 : i32
          %dma_wait3A_207 = tpu.memref_slice %arg15[%dma_wait3A_205, %dma_wait3A_206] : memref<10112x64xf32, #tpu.memory_space<vmem_shared>> -> memref<10112x64xf32, #tpu.memory_space<vmem_shared>>
          tpu.wait_indirect_dma semaphore(%arg17 : memref<!tpu.dma_semaphore, #tpu.memory_space<semaphore_mem>>) src(%dma_wait3A_201 : memref<128x64xf32, #tpu.memory_space<vmem>>) dst(%dma_wait3A_207 : memref<10112x64xf32, #tpu.memory_space<vmem_shared>>)
          %convert_element_type3A_208 = arith.extui %select_n3A : i1 to i32
          %cond3A_209 = arith.constant 0 : i32
          %cond3A_210 = arith.cmpi ne, %convert_element_type3A_208, %cond3A_209 : i32
          scf.if %cond3A_210 {
            %sub3A_211 = arith.constant 3 : i32
            %sub3A_212 = arith.subi %scan3A_127, %sub3A_211 : i32
            %dma_wait3A_213 = arith.constant 0 : i32
            %dma_wait3A_214 = tpu.memref_slice %arg13[%sub3A_212, %dma_wait3A_213] : memref<80x128xi32, #tpu.memory_space<vmem>> -> memref<1x128xi32, #tpu.memory_space<vmem>>
            %dma_wait3A_215 = tpu.memref_squeeze %dma_wait3A_214 : memref<1x128xi32, #tpu.memory_space<vmem>> -> memref<128xi32, #tpu.memory_space<vmem>>
            %dma_wait3A_216 = arith.constant 0 : i32
            %dma_wait3A_217 = arith.constant 0 : i32
            %dma_wait3A_218 = tpu.memref_slice %arg19[%dma_wait3A_216, %dma_wait3A_217] : memref<10112x16xf32, #tpu.memory_space<vmem_shared>> -> memref<10112x16xf32, #tpu.memory_space<vmem_shared>>
            tpu.wait_indirect_dma semaphore(%arg20 : memref<!tpu.dma_semaphore, #tpu.memory_space<semaphore_mem>>) src(%arg18 : memref<128x16xf32, #tpu.memory_space<vmem>>) dst(%dma_wait3A_218 : memref<10112x16xf32, #tpu.memory_space<vmem_shared>>)
          } else {
          }
        } else {
        }
        %add3A_172 = arith.constant 3 : i32
        %add3A_173 = arith.addi %scan3A_127, %add3A_172 : i32
        %lt3A_174 = arith.constant 80 : i32
        %lt3A_175 = arith.cmpi slt, %add3A_173, %lt3A_174 : i32
        %convert_element_type3A_176 = arith.extui %lt3A_175 : i1 to i32
        %cond3A_177 = arith.constant 0 : i32
        %cond3A_178 = arith.cmpi ne, %convert_element_type3A_176, %cond3A_177 : i32
        scf.if %cond3A_178 {
          %add3A_179 = arith.constant 3 : i32
          %add3A_180 = arith.addi %scan3A_127, %add3A_179 : i32
          %add3A_181 = arith.constant 3 : i32
          %add3A_182 = arith.addi %scan3A_127, %add3A_181 : i32
          %jit3A_183 = arith.constant 6 : i32
          %eq3A_184 = arith.constant 0 : i32
          %eq3A_185 = arith.cmpi eq, %jit3A_183, %eq3A_184 : i32
          %jit3A_186 = arith.constant 1 : i32
          %select_n3A_187 = arith.select %eq3A_185, %jit3A_186, %jit3A_183 : i32
          %rem3A_188 = arith.remsi %add3A_182, %select_n3A_187 : i32
          %ne3A_189 = arith.constant 0 : i32
          %ne3A_190 = arith.cmpi ne, %rem3A_188, %ne3A_189 : i32
          %lt3A_191 = arith.constant 0 : i32
          %lt3A_192 = arith.cmpi slt, %rem3A_188, %lt3A_191 : i32
          %lt3A_193 = arith.constant 0 : i32
          %lt3A_194 = arith.cmpi slt, %select_n3A_187, %lt3A_193 : i32
          %ne3A_195 = arith.xori %lt3A_192, %lt3A_194 : i1
          %and3A_196 = arith.andi %ne3A_195, %ne3A_190 : i1
          %add3A_197 = arith.addi %rem3A_188, %select_n3A_187 : i32
          %select_n3A_198 = arith.select %and3A_196, %add3A_197, %rem3A_188 : i32
          %dma_start3A_199 = arith.constant 0 : i32
          %dma_start3A_200 = arith.constant 0 : i32
          %dma_start3A_201 = tpu.memref_slice %arg14[%select_n3A_198, %dma_start3A_199, %dma_start3A_200] : memref<6x128x64xf32, #tpu.memory_space<vmem>> -> memref<1x128x64xf32, #tpu.memory_space<vmem>>
          %dma_start3A_202 = tpu.memref_squeeze %dma_start3A_201 : memref<1x128x64xf32, #tpu.memory_space<vmem>> -> memref<128x64xf32, #tpu.memory_space<vmem>>
          %dma_start3A_203 = arith.constant 0 : i32
          %dma_start3A_204 = tpu.memref_slice %arg12[%add3A_180, %dma_start3A_203] : memref<80x128xi32, #tpu.memory_space<vmem>> -> memref<1x128xi32, #tpu.memory_space<vmem>>
          %dma_start3A_205 = tpu.memref_squeeze %dma_start3A_204 : memref<1x128xi32, #tpu.memory_space<vmem>> -> memref<128xi32, #tpu.memory_space<vmem>>
          %dma_start3A_206 = arith.constant 0 : i32
          %dma_start3A_207 = arith.constant 0 : i32
          %dma_start3A_208 = tpu.memref_slice %arg2[%arg0, %dma_start3A_206, %dma_start3A_207] : memref<2x10000x64xf32, #tpu.memory_space<hbm>> -> memref<1x10000x64xf32, #tpu.memory_space<hbm>>
          %dma_start3A_209 = tpu.memref_squeeze %dma_start3A_208 : memref<1x10000x64xf32, #tpu.memory_space<hbm>> -> memref<10000x64xf32, #tpu.memory_space<hbm>>
          %dma_start3A_210 = arith.constant 0 : i32
          %dma_start3A_211 = arith.constant 0 : i32
          %dma_start3A_212 = tpu.memref_slice %dma_start3A_209[%dma_start3A_210, %dma_start3A_211] : memref<10000x64xf32, #tpu.memory_space<hbm>> -> memref<10000x64xf32, #tpu.memory_space<hbm>>
          tpu.enqueue_indirect_dma source(%dma_start3A_212 : memref<10000x64xf32, #tpu.memory_space<hbm>>) target(%dma_start3A_202 : memref<128x64xf32, #tpu.memory_space<vmem>>) offsets(%dma_start3A_205 : memref<128xi32, #tpu.memory_space<vmem>>) semaphore(%arg16 : memref<!tpu.dma_semaphore, #tpu.memory_space<semaphore_mem>>)
        } else {
        }
      }
      %scan3A_82 = arith.constant 80 : i32
      %dma_wait3A = arith.constant 5 : i32
      %dma_wait3A_83 = arith.constant 77 : i32
      %dma_wait3A_84 = arith.constant 0 : i32
      %dma_wait3A_85 = arith.constant 0 : i32
      %dma_wait3A_86 = tpu.memref_slice %arg14[%dma_wait3A, %dma_wait3A_84, %dma_wait3A_85] : memref<6x128x64xf32, #tpu.memory_space<vmem>> -> memref<1x128x64xf32, #tpu.memory_space<vmem>>
      %dma_wait3A_87 = tpu.memref_squeeze %dma_wait3A_86 : memref<1x128x64xf32, #tpu.memory_space<vmem>> -> memref<128x64xf32, #tpu.memory_space<vmem>>
      %dma_wait3A_88 = arith.constant 0 : i32
      %dma_wait3A_89 = tpu.memref_slice %arg13[%dma_wait3A_83, %dma_wait3A_88] : memref<80x128xi32, #tpu.memory_space<vmem>> -> memref<1x128xi32, #tpu.memory_space<vmem>>
      %dma_wait3A_90 = tpu.memref_squeeze %dma_wait3A_89 : memref<1x128xi32, #tpu.memory_space<vmem>> -> memref<128xi32, #tpu.memory_space<vmem>>
      %dma_wait3A_91 = arith.constant 0 : i32
      %dma_wait3A_92 = arith.constant 0 : i32
      %dma_wait3A_93 = tpu.memref_slice %arg15[%dma_wait3A_91, %dma_wait3A_92] : memref<10112x64xf32, #tpu.memory_space<vmem_shared>> -> memref<10112x64xf32, #tpu.memory_space<vmem_shared>>
      tpu.wait_indirect_dma semaphore(%arg17 : memref<!tpu.dma_semaphore, #tpu.memory_space<semaphore_mem>>) src(%dma_wait3A_87 : memref<128x64xf32, #tpu.memory_space<vmem>>) dst(%dma_wait3A_93 : memref<10112x64xf32, #tpu.memory_space<vmem_shared>>)
      %convert_element_type3A_94 = arith.extui %select_n3A : i1 to i32
      %cond3A_95 = arith.constant 0 : i32
      %cond3A_96 = arith.cmpi ne, %convert_element_type3A_94, %cond3A_95 : i32
      scf.if %cond3A_96 {
        %dma_wait3A_127 = arith.constant 77 : i32
        %dma_wait3A_128 = arith.constant 0 : i32
        %dma_wait3A_129 = tpu.memref_slice %arg13[%dma_wait3A_127, %dma_wait3A_128] : memref<80x128xi32, #tpu.memory_space<vmem>> -> memref<1x128xi32, #tpu.memory_space<vmem>>
        %dma_wait3A_130 = tpu.memref_squeeze %dma_wait3A_129 : memref<1x128xi32, #tpu.memory_space<vmem>> -> memref<128xi32, #tpu.memory_space<vmem>>
        %dma_wait3A_131 = arith.constant 0 : i32
        %dma_wait3A_132 = arith.constant 0 : i32
        %dma_wait3A_133 = tpu.memref_slice %arg19[%dma_wait3A_131, %dma_wait3A_132] : memref<10112x16xf32, #tpu.memory_space<vmem_shared>> -> memref<10112x16xf32, #tpu.memory_space<vmem_shared>>
        tpu.wait_indirect_dma semaphore(%arg20 : memref<!tpu.dma_semaphore, #tpu.memory_space<semaphore_mem>>) src(%arg18 : memref<128x16xf32, #tpu.memory_space<vmem>>) dst(%dma_wait3A_133 : memref<10112x16xf32, #tpu.memory_space<vmem_shared>>)
      } else {
      }
      %dma_wait3A_97 = arith.constant 0 : i32
      %dma_wait3A_98 = arith.constant 78 : i32
      %dma_wait3A_99 = arith.constant 0 : i32
      %dma_wait3A_100 = arith.constant 0 : i32
      %dma_wait3A_101 = tpu.memref_slice %arg14[%dma_wait3A_97, %dma_wait3A_99, %dma_wait3A_100] : memref<6x128x64xf32, #tpu.memory_space<vmem>> -> memref<1x128x64xf32, #tpu.memory_space<vmem>>
      %dma_wait3A_102 = tpu.memref_squeeze %dma_wait3A_101 : memref<1x128x64xf32, #tpu.memory_space<vmem>> -> memref<128x64xf32, #tpu.memory_space<vmem>>
      %dma_wait3A_103 = arith.constant 0 : i32
      %dma_wait3A_104 = tpu.memref_slice %arg13[%dma_wait3A_98, %dma_wait3A_103] : memref<80x128xi32, #tpu.memory_space<vmem>> -> memref<1x128xi32, #tpu.memory_space<vmem>>
      %dma_wait3A_105 = tpu.memref_squeeze %dma_wait3A_104 : memref<1x128xi32, #tpu.memory_space<vmem>> -> memref<128xi32, #tpu.memory_space<vmem>>
      %dma_wait3A_106 = arith.constant 0 : i32
      %dma_wait3A_107 = arith.constant 0 : i32
      %dma_wait3A_108 = tpu.memref_slice %arg15[%dma_wait3A_106, %dma_wait3A_107] : memref<10112x64xf32, #tpu.memory_space<vmem_shared>> -> memref<10112x64xf32, #tpu.memory_space<vmem_shared>>
      tpu.wait_indirect_dma semaphore(%arg17 : memref<!tpu.dma_semaphore, #tpu.memory_space<semaphore_mem>>) src(%dma_wait3A_102 : memref<128x64xf32, #tpu.memory_space<vmem>>) dst(%dma_wait3A_108 : memref<10112x64xf32, #tpu.memory_space<vmem_shared>>)
      %convert_element_type3A_109 = arith.extui %select_n3A : i1 to i32
      %cond3A_110 = arith.constant 0 : i32
      %cond3A_111 = arith.cmpi ne, %convert_element_type3A_109, %cond3A_110 : i32
      scf.if %cond3A_111 {
        %dma_wait3A_127 = arith.constant 78 : i32
        %dma_wait3A_128 = arith.constant 0 : i32
        %dma_wait3A_129 = tpu.memref_slice %arg13[%dma_wait3A_127, %dma_wait3A_128] : memref<80x128xi32, #tpu.memory_space<vmem>> -> memref<1x128xi32, #tpu.memory_space<vmem>>
        %dma_wait3A_130 = tpu.memref_squeeze %dma_wait3A_129 : memref<1x128xi32, #tpu.memory_space<vmem>> -> memref<128xi32, #tpu.memory_space<vmem>>
        %dma_wait3A_131 = arith.constant 0 : i32
        %dma_wait3A_132 = arith.constant 0 : i32
        %dma_wait3A_133 = tpu.memref_slice %arg19[%dma_wait3A_131, %dma_wait3A_132] : memref<10112x16xf32, #tpu.memory_space<vmem_shared>> -> memref<10112x16xf32, #tpu.memory_space<vmem_shared>>
        tpu.wait_indirect_dma semaphore(%arg20 : memref<!tpu.dma_semaphore, #tpu.memory_space<semaphore_mem>>) src(%arg18 : memref<128x16xf32, #tpu.memory_space<vmem>>) dst(%dma_wait3A_133 : memref<10112x16xf32, #tpu.memory_space<vmem_shared>>)
      } else {
      }
      %dma_wait3A_112 = arith.constant 1 : i32
      %dma_wait3A_113 = arith.constant 79 : i32
      %dma_wait3A_114 = arith.constant 0 : i32
      %dma_wait3A_115 = arith.constant 0 : i32
      %dma_wait3A_116 = tpu.memref_slice %arg14[%dma_wait3A_112, %dma_wait3A_114, %dma_wait3A_115] : memref<6x128x64xf32, #tpu.memory_space<vmem>> -> memref<1x128x64xf32, #tpu.memory_space<vmem>>
      %dma_wait3A_117 = tpu.memref_squeeze %dma_wait3A_116 : memref<1x128x64xf32, #tpu.memory_space<vmem>> -> memref<128x64xf32, #tpu.memory_space<vmem>>
      %dma_wait3A_118 = arith.constant 0 : i32
      %dma_wait3A_119 = tpu.memref_slice %arg13[%dma_wait3A_113, %dma_wait3A_118] : memref<80x128xi32, #tpu.memory_space<vmem>> -> memref<1x128xi32, #tpu.memory_space<vmem>>
      %dma_wait3A_120 = tpu.memref_squeeze %dma_wait3A_119 : memref<1x128xi32, #tpu.memory_space<vmem>> -> memref<128xi32, #tpu.memory_space<vmem>>
      %dma_wait3A_121 = arith.constant 0 : i32
      %dma_wait3A_122 = arith.constant 0 : i32
      %dma_wait3A_123 = tpu.memref_slice %arg15[%dma_wait3A_121, %dma_wait3A_122] : memref<10112x64xf32, #tpu.memory_space<vmem_shared>> -> memref<10112x64xf32, #tpu.memory_space<vmem_shared>>
      tpu.wait_indirect_dma semaphore(%arg17 : memref<!tpu.dma_semaphore, #tpu.memory_space<semaphore_mem>>) src(%dma_wait3A_117 : memref<128x64xf32, #tpu.memory_space<vmem>>) dst(%dma_wait3A_123 : memref<10112x64xf32, #tpu.memory_space<vmem_shared>>)
      %convert_element_type3A_124 = arith.extui %select_n3A : i1 to i32
      %cond3A_125 = arith.constant 0 : i32
      %cond3A_126 = arith.cmpi ne, %convert_element_type3A_124, %cond3A_125 : i32
      scf.if %cond3A_126 {
        %dma_wait3A_127 = arith.constant 79 : i32
        %dma_wait3A_128 = arith.constant 0 : i32
        %dma_wait3A_129 = tpu.memref_slice %arg13[%dma_wait3A_127, %dma_wait3A_128] : memref<80x128xi32, #tpu.memory_space<vmem>> -> memref<1x128xi32, #tpu.memory_space<vmem>>
        %dma_wait3A_130 = tpu.memref_squeeze %dma_wait3A_129 : memref<1x128xi32, #tpu.memory_space<vmem>> -> memref<128xi32, #tpu.memory_space<vmem>>
        %dma_wait3A_131 = arith.constant 0 : i32
        %dma_wait3A_132 = arith.constant 0 : i32
        %dma_wait3A_133 = tpu.memref_slice %arg19[%dma_wait3A_131, %dma_wait3A_132] : memref<10112x16xf32, #tpu.memory_space<vmem_shared>> -> memref<10112x16xf32, #tpu.memory_space<vmem_shared>>
        tpu.wait_indirect_dma semaphore(%arg20 : memref<!tpu.dma_semaphore, #tpu.memory_space<semaphore_mem>>) src(%arg18 : memref<128x16xf32, #tpu.memory_space<vmem>>) dst(%dma_wait3A_133 : memref<10112x16xf32, #tpu.memory_space<vmem_shared>>)
      } else {
      }
    }
    %scan3A_7 = arith.constant 2 : i32
    %barrier3A_8 = arith.constant 0 : index
    tpu.barrier barrier_id(%barrier3A_8)
    %eq3A = arith.constant 0 : i32
    %eq3A_9 = arith.cmpi eq, %arg0, %eq3A : i32
    %convert_element_type3A = arith.extui %eq3A_9 : i1 to i32
    %cond3A = arith.constant 0 : i32
    %cond3A_10 = arith.cmpi ne, %convert_element_type3A, %cond3A : i32
    scf.if %cond3A_10 {
      "tpu.region"() ({
        %run_scoped3A = tpu.sem_alloc : memref<!tpu.dma_semaphore, #tpu.memory_space<semaphore_mem>>
        %dma_start3A = arith.constant 0 : i32
        %dma_start3A_16 = tpu.memref_slice %arg8[%mul3A_0, %dma_start3A] : memref<10112x64xf32, #tpu.memory_space<hbm>> -> memref<632x64xf32, #tpu.memory_space<hbm>>
        %dma_start3A_17 = arith.constant 0 : i32
        %dma_start3A_18 = tpu.memref_slice %arg15[%mul3A_0, %dma_start3A_17] : memref<10112x64xf32, #tpu.memory_space<vmem_shared>> -> memref<632x64xf32, #tpu.memory_space<vmem_shared>>
        tpu.enqueue_dma source(%dma_start3A_18 : memref<632x64xf32, #tpu.memory_space<vmem_shared>>) target(%dma_start3A_16 : memref<632x64xf32, #tpu.memory_space<hbm>>) target_semaphore(%run_scoped3A : memref<!tpu.dma_semaphore, #tpu.memory_space<semaphore_mem>>)
        %dma_wait3A = arith.constant 0 : i32
        %dma_wait3A_19 = tpu.memref_slice %arg8[%mul3A_0, %dma_wait3A] : memref<10112x64xf32, #tpu.memory_space<hbm>> -> memref<632x64xf32, #tpu.memory_space<hbm>>
        %dma_wait3A_20 = arith.constant 0 : i32
        %dma_wait3A_21 = tpu.memref_slice %arg15[%mul3A_0, %dma_wait3A_20] : memref<10112x64xf32, #tpu.memory_space<vmem_shared>> -> memref<632x64xf32, #tpu.memory_space<vmem_shared>>
        tpu.wait_dma2 semaphore(%run_scoped3A : memref<!tpu.dma_semaphore, #tpu.memory_space<semaphore_mem>>) src(%dma_wait3A_21 : memref<632x64xf32, #tpu.memory_space<vmem_shared>>) dst(%dma_wait3A_19 : memref<632x64xf32, #tpu.memory_space<hbm>>)
        tpu.yield
      }) : () -> ()
      "tpu.region"() ({
        %run_scoped3A = tpu.sem_alloc : memref<!tpu.dma_semaphore, #tpu.memory_space<semaphore_mem>>
        %dma_start3A = arith.constant 0 : i32
        %dma_start3A_16 = tpu.memref_slice %arg10[%mul3A_0, %dma_start3A] : memref<10112x16xf32, #tpu.memory_space<hbm>> -> memref<632x16xf32, #tpu.memory_space<hbm>>
        %dma_start3A_17 = arith.constant 0 : i32
        %dma_start3A_18 = tpu.memref_slice %arg19[%mul3A_0, %dma_start3A_17] : memref<10112x16xf32, #tpu.memory_space<vmem_shared>> -> memref<632x16xf32, #tpu.memory_space<vmem_shared>>
        tpu.enqueue_dma source(%dma_start3A_18 : memref<632x16xf32, #tpu.memory_space<vmem_shared>>) target(%dma_start3A_16 : memref<632x16xf32, #tpu.memory_space<hbm>>) target_semaphore(%run_scoped3A : memref<!tpu.dma_semaphore, #tpu.memory_space<semaphore_mem>>)
        %dma_wait3A = arith.constant 0 : i32
        %dma_wait3A_19 = tpu.memref_slice %arg10[%mul3A_0, %dma_wait3A] : memref<10112x16xf32, #tpu.memory_space<hbm>> -> memref<632x16xf32, #tpu.memory_space<hbm>>
        %dma_wait3A_20 = arith.constant 0 : i32
        %dma_wait3A_21 = tpu.memref_slice %arg19[%mul3A_0, %dma_wait3A_20] : memref<10112x16xf32, #tpu.memory_space<vmem_shared>> -> memref<632x16xf32, #tpu.memory_space<vmem_shared>>
        tpu.wait_dma2 semaphore(%run_scoped3A : memref<!tpu.dma_semaphore, #tpu.memory_space<semaphore_mem>>) src(%dma_wait3A_21 : memref<632x16xf32, #tpu.memory_space<vmem_shared>>) dst(%dma_wait3A_19 : memref<632x16xf32, #tpu.memory_space<hbm>>)
        tpu.yield
      }) : () -> ()
    } else {
    }
    %eq3A_11 = arith.constant 1 : i32
    %eq3A_12 = arith.cmpi eq, %arg0, %eq3A_11 : i32
    %convert_element_type3A_13 = arith.extui %eq3A_12 : i1 to i32
    %cond3A_14 = arith.constant 0 : i32
    %cond3A_15 = arith.cmpi ne, %convert_element_type3A_13, %cond3A_14 : i32
    scf.if %cond3A_15 {
      "tpu.region"() ({
        %run_scoped3A = tpu.sem_alloc : memref<!tpu.dma_semaphore, #tpu.memory_space<semaphore_mem>>
        %dma_start3A = arith.constant 0 : i32
        %dma_start3A_16 = tpu.memref_slice %arg9[%mul3A_0, %dma_start3A] : memref<10112x64xf32, #tpu.memory_space<hbm>> -> memref<632x64xf32, #tpu.memory_space<hbm>>
        %dma_start3A_17 = arith.constant 0 : i32
        %dma_start3A_18 = tpu.memref_slice %arg15[%mul3A_0, %dma_start3A_17] : memref<10112x64xf32, #tpu.memory_space<vmem_shared>> -> memref<632x64xf32, #tpu.memory_space<vmem_shared>>
        tpu.enqueue_dma source(%dma_start3A_18 : memref<632x64xf32, #tpu.memory_space<vmem_shared>>) target(%dma_start3A_16 : memref<632x64xf32, #tpu.memory_space<hbm>>) target_semaphore(%run_scoped3A : memref<!tpu.dma_semaphore, #tpu.memory_space<semaphore_mem>>)
        %dma_wait3A = arith.constant 0 : i32
        %dma_wait3A_19 = tpu.memref_slice %arg9[%mul3A_0, %dma_wait3A] : memref<10112x64xf32, #tpu.memory_space<hbm>> -> memref<632x64xf32, #tpu.memory_space<hbm>>
        %dma_wait3A_20 = arith.constant 0 : i32
        %dma_wait3A_21 = tpu.memref_slice %arg15[%mul3A_0, %dma_wait3A_20] : memref<10112x64xf32, #tpu.memory_space<vmem_shared>> -> memref<632x64xf32, #tpu.memory_space<vmem_shared>>
        tpu.wait_dma2 semaphore(%run_scoped3A : memref<!tpu.dma_semaphore, #tpu.memory_space<semaphore_mem>>) src(%dma_wait3A_21 : memref<632x64xf32, #tpu.memory_space<vmem_shared>>) dst(%dma_wait3A_19 : memref<632x64xf32, #tpu.memory_space<hbm>>)
        tpu.yield
      }) : () -> ()
      "tpu.region"() ({
        %run_scoped3A = tpu.sem_alloc : memref<!tpu.dma_semaphore, #tpu.memory_space<semaphore_mem>>
        %dma_start3A = arith.constant 0 : i32
        %dma_start3A_16 = tpu.memref_slice %arg11[%mul3A_0, %dma_start3A] : memref<10112x16xf32, #tpu.memory_space<hbm>> -> memref<632x16xf32, #tpu.memory_space<hbm>>
        %dma_start3A_17 = arith.constant 0 : i32
        %dma_start3A_18 = tpu.memref_slice %arg19[%mul3A_0, %dma_start3A_17] : memref<10112x16xf32, #tpu.memory_space<vmem_shared>> -> memref<632x16xf32, #tpu.memory_space<vmem_shared>>
        tpu.enqueue_dma source(%dma_start3A_18 : memref<632x16xf32, #tpu.memory_space<vmem_shared>>) target(%dma_start3A_16 : memref<632x16xf32, #tpu.memory_space<hbm>>) target_semaphore(%run_scoped3A : memref<!tpu.dma_semaphore, #tpu.memory_space<semaphore_mem>>)
        %dma_wait3A = arith.constant 0 : i32
        %dma_wait3A_19 = tpu.memref_slice %arg11[%mul3A_0, %dma_wait3A] : memref<10112x16xf32, #tpu.memory_space<hbm>> -> memref<632x16xf32, #tpu.memory_space<hbm>>
        %dma_wait3A_20 = arith.constant 0 : i32
        %dma_wait3A_21 = tpu.memref_slice %arg19[%mul3A_0, %dma_wait3A_20] : memref<10112x16xf32, #tpu.memory_space<vmem_shared>> -> memref<632x16xf32, #tpu.memory_space<vmem_shared>>
        tpu.wait_dma2 semaphore(%run_scoped3A : memref<!tpu.dma_semaphore, #tpu.memory_space<semaphore_mem>>) src(%dma_wait3A_21 : memref<632x16xf32, #tpu.memory_space<vmem_shared>>) dst(%dma_wait3A_19 : memref<632x16xf32, #tpu.memory_space<hbm>>)
        tpu.yield
      }) : () -> ()
    } else {
    }
    return
  }
}

#map = affine_map<(d0, d1) -> (0, 0)>
module attributes {stable_mosaic.version = 14 : i64} {
  func.func @body(%arg0: i32, %arg1: i32, %arg2: memref<10000x64xf32, #tpu.memory_space<hbm>>, %arg3: memref<2560x128xi32, #tpu.memory_space<hbm>>, %arg4: memref<2560x128xi32, #tpu.memory_space<hbm>>, %arg5: memref<10112x64xf32, #tpu.memory_space<hbm>>, %arg6: memref<10112x64xf32, #tpu.memory_space<hbm>>, %arg7: memref<10112x64xf32, #tpu.memory_space<hbm>>, %arg8: memref<80x128xi32, #tpu.memory_space<vmem>>, %arg9: memref<80x128xi32, #tpu.memory_space<vmem>>, %arg10: memref<8x128x64xf32, #tpu.memory_space<vmem>>, %arg11: memref<10112x64xf32, #tpu.memory_space<vmem_shared>>, %arg12: memref<!tpu.dma_semaphore, #tpu.memory_space<semaphore_mem>>, %arg13: memref<!tpu.dma_semaphore, #tpu.memory_space<semaphore_mem>>) attributes {dimension_semantics = [#tpu.dimension_semantics<core_parallel>, #tpu.dimension_semantics<subcore_parallel>], iteration_bounds = array<i64: 2, 16>, scalar_prefetch = 0 : i64, scratch_operands = 6 : i64, tpu.core_type = #tpu.core_type<sc_vector_subcore>, window_params = [{transform_indices = #map}, {transform_indices = #map}, {transform_indices = #map}, {transform_indices = #map}, {transform_indices = #map}, {transform_indices = #map}]} {
    %mul3A = arith.constant 632 : i32
    %mul3A_0 = arith.muli %arg1, %mul3A : i32
    %mul3A_1 = arith.constant 16 : i32
    %mul3A_2 = arith.muli %arg0, %mul3A_1 : i32
    %add3A = arith.addi %mul3A_2, %arg1 : i32
    %mul3A_3 = arith.constant 80 : i32
    %mul3A_4 = arith.muli %add3A, %mul3A_3 : i32
    "tpu.region"() ({
      %run_scoped3A = tpu.sem_alloc : memref<!tpu.dma_semaphore, #tpu.memory_space<semaphore_mem>>
      %dma_start3A_121 = arith.constant 0 : i32
      %dma_start3A_122 = tpu.memref_slice %arg11[%mul3A_0, %dma_start3A_121] : memref<10112x64xf32, #tpu.memory_space<vmem_shared>> -> memref<632x64xf32, #tpu.memory_space<vmem_shared>>
      %dma_start3A_123 = arith.constant 0 : i32
      %dma_start3A_124 = tpu.memref_slice %arg5[%mul3A_0, %dma_start3A_123] : memref<10112x64xf32, #tpu.memory_space<hbm>> -> memref<632x64xf32, #tpu.memory_space<hbm>>
      tpu.enqueue_dma source(%dma_start3A_124 : memref<632x64xf32, #tpu.memory_space<hbm>>) target(%dma_start3A_122 : memref<632x64xf32, #tpu.memory_space<vmem_shared>>) target_semaphore(%run_scoped3A : memref<!tpu.dma_semaphore, #tpu.memory_space<semaphore_mem>>)
      %dma_wait3A_125 = arith.constant 0 : i32
      %dma_wait3A_126 = tpu.memref_slice %arg11[%mul3A_0, %dma_wait3A_125] : memref<10112x64xf32, #tpu.memory_space<vmem_shared>> -> memref<632x64xf32, #tpu.memory_space<vmem_shared>>
      %dma_wait3A_127 = arith.constant 0 : i32
      %dma_wait3A_128 = tpu.memref_slice %arg5[%mul3A_0, %dma_wait3A_127] : memref<10112x64xf32, #tpu.memory_space<hbm>> -> memref<632x64xf32, #tpu.memory_space<hbm>>
      tpu.wait_dma2 semaphore(%run_scoped3A : memref<!tpu.dma_semaphore, #tpu.memory_space<semaphore_mem>>) src(%dma_wait3A_128 : memref<632x64xf32, #tpu.memory_space<hbm>>) dst(%dma_wait3A_126 : memref<632x64xf32, #tpu.memory_space<vmem_shared>>)
      tpu.yield
    }) : () -> ()
    %barrier3A = arith.constant 0 : index
    tpu.barrier barrier_id(%barrier3A)
    %scan3A = arith.constant 0 : i32
    %scan3A_5 = arith.constant 0 : i32
    %mul3A_6 = arith.constant 80 : i32
    %mul3A_7 = arith.muli %scan3A_5, %mul3A_6 : i32
    %add3A_8 = arith.addi %mul3A_4, %mul3A_7 : i32
    "tpu.region"() ({
      %run_scoped3A = tpu.sem_alloc : memref<!tpu.dma_semaphore, #tpu.memory_space<semaphore_mem>>
      %dma_start3A_121 = arith.constant 0 : i32
      %dma_start3A_122 = tpu.memref_slice %arg3[%add3A_8, %dma_start3A_121] : memref<2560x128xi32, #tpu.memory_space<hbm>> -> memref<80x128xi32, #tpu.memory_space<hbm>>
      %dma_start3A_123 = arith.constant 0 : i32
      %dma_start3A_124 = tpu.memref_slice %arg3[%add3A_8, %dma_start3A_123] : memref<2560x128xi32, #tpu.memory_space<hbm>> -> memref<80x128xi32, #tpu.memory_space<hbm>>
      tpu.enqueue_dma source(%dma_start3A_124 : memref<80x128xi32, #tpu.memory_space<hbm>>) target(%arg8 : memref<80x128xi32, #tpu.memory_space<vmem>>) target_semaphore(%run_scoped3A : memref<!tpu.dma_semaphore, #tpu.memory_space<semaphore_mem>>)
      %dma_wait3A_125 = arith.constant 0 : i32
      %dma_wait3A_126 = tpu.memref_slice %arg3[%add3A_8, %dma_wait3A_125] : memref<2560x128xi32, #tpu.memory_space<hbm>> -> memref<80x128xi32, #tpu.memory_space<hbm>>
      %dma_wait3A_127 = arith.constant 0 : i32
      %dma_wait3A_128 = tpu.memref_slice %arg3[%add3A_8, %dma_wait3A_127] : memref<2560x128xi32, #tpu.memory_space<hbm>> -> memref<80x128xi32, #tpu.memory_space<hbm>>
      tpu.wait_dma2 semaphore(%run_scoped3A : memref<!tpu.dma_semaphore, #tpu.memory_space<semaphore_mem>>) src(%dma_wait3A_128 : memref<80x128xi32, #tpu.memory_space<hbm>>) dst(%arg8 : memref<80x128xi32, #tpu.memory_space<vmem>>)
      tpu.yield
    }) : () -> ()
    %mul3A_9 = arith.constant 80 : i32
    %mul3A_10 = arith.muli %scan3A_5, %mul3A_9 : i32
    %add3A_11 = arith.addi %mul3A_4, %mul3A_10 : i32
    "tpu.region"() ({
      %run_scoped3A = tpu.sem_alloc : memref<!tpu.dma_semaphore, #tpu.memory_space<semaphore_mem>>
      %dma_start3A_121 = arith.constant 0 : i32
      %dma_start3A_122 = tpu.memref_slice %arg4[%add3A_11, %dma_start3A_121] : memref<2560x128xi32, #tpu.memory_space<hbm>> -> memref<80x128xi32, #tpu.memory_space<hbm>>
      %dma_start3A_123 = arith.constant 0 : i32
      %dma_start3A_124 = tpu.memref_slice %arg4[%add3A_11, %dma_start3A_123] : memref<2560x128xi32, #tpu.memory_space<hbm>> -> memref<80x128xi32, #tpu.memory_space<hbm>>
      tpu.enqueue_dma source(%dma_start3A_124 : memref<80x128xi32, #tpu.memory_space<hbm>>) target(%arg9 : memref<80x128xi32, #tpu.memory_space<vmem>>) target_semaphore(%run_scoped3A : memref<!tpu.dma_semaphore, #tpu.memory_space<semaphore_mem>>)
      %dma_wait3A_125 = arith.constant 0 : i32
      %dma_wait3A_126 = tpu.memref_slice %arg4[%add3A_11, %dma_wait3A_125] : memref<2560x128xi32, #tpu.memory_space<hbm>> -> memref<80x128xi32, #tpu.memory_space<hbm>>
      %dma_wait3A_127 = arith.constant 0 : i32
      %dma_wait3A_128 = tpu.memref_slice %arg4[%add3A_11, %dma_wait3A_127] : memref<2560x128xi32, #tpu.memory_space<hbm>> -> memref<80x128xi32, #tpu.memory_space<hbm>>
      tpu.wait_dma2 semaphore(%run_scoped3A : memref<!tpu.dma_semaphore, #tpu.memory_space<semaphore_mem>>) src(%dma_wait3A_128 : memref<80x128xi32, #tpu.memory_space<hbm>>) dst(%arg9 : memref<80x128xi32, #tpu.memory_space<vmem>>)
      tpu.yield
    }) : () -> ()
    %dma_start3A = arith.constant 0 : i32
    %dma_start3A_12 = arith.constant 0 : i32
    %dma_start3A_13 = arith.constant 0 : i32
    %dma_start3A_14 = arith.constant 0 : i32
    %dma_start3A_15 = tpu.memref_slice %arg10[%dma_start3A_12, %dma_start3A_13, %dma_start3A_14] : memref<8x128x64xf32, #tpu.memory_space<vmem>> -> memref<1x128x64xf32, #tpu.memory_space<vmem>>
    %dma_start3A_16 = tpu.memref_squeeze %dma_start3A_15 : memref<1x128x64xf32, #tpu.memory_space<vmem>> -> memref<128x64xf32, #tpu.memory_space<vmem>>
    %dma_start3A_17 = arith.constant 0 : i32
    %dma_start3A_18 = tpu.memref_slice %arg8[%dma_start3A, %dma_start3A_17] : memref<80x128xi32, #tpu.memory_space<vmem>> -> memref<1x128xi32, #tpu.memory_space<vmem>>
    %dma_start3A_19 = tpu.memref_squeeze %dma_start3A_18 : memref<1x128xi32, #tpu.memory_space<vmem>> -> memref<128xi32, #tpu.memory_space<vmem>>
    %dma_start3A_20 = arith.constant 0 : i32
    %dma_start3A_21 = arith.constant 0 : i32
    %dma_start3A_22 = tpu.memref_slice %arg2[%dma_start3A_20, %dma_start3A_21] : memref<10000x64xf32, #tpu.memory_space<hbm>> -> memref<10000x64xf32, #tpu.memory_space<hbm>>
    tpu.enqueue_indirect_dma source(%dma_start3A_22 : memref<10000x64xf32, #tpu.memory_space<hbm>>) target(%dma_start3A_16 : memref<128x64xf32, #tpu.memory_space<vmem>>) offsets(%dma_start3A_19 : memref<128xi32, #tpu.memory_space<vmem>>) semaphore(%arg12 : memref<!tpu.dma_semaphore, #tpu.memory_space<semaphore_mem>>)
    %dma_start3A_23 = arith.constant 1 : i32
    %dma_start3A_24 = arith.constant 1 : i32
    %dma_start3A_25 = arith.constant 0 : i32
    %dma_start3A_26 = arith.constant 0 : i32
    %dma_start3A_27 = tpu.memref_slice %arg10[%dma_start3A_24, %dma_start3A_25, %dma_start3A_26] : memref<8x128x64xf32, #tpu.memory_space<vmem>> -> memref<1x128x64xf32, #tpu.memory_space<vmem>>
    %dma_start3A_28 = tpu.memref_squeeze %dma_start3A_27 : memref<1x128x64xf32, #tpu.memory_space<vmem>> -> memref<128x64xf32, #tpu.memory_space<vmem>>
    %dma_start3A_29 = arith.constant 0 : i32
    %dma_start3A_30 = tpu.memref_slice %arg8[%dma_start3A_23, %dma_start3A_29] : memref<80x128xi32, #tpu.memory_space<vmem>> -> memref<1x128xi32, #tpu.memory_space<vmem>>
    %dma_start3A_31 = tpu.memref_squeeze %dma_start3A_30 : memref<1x128xi32, #tpu.memory_space<vmem>> -> memref<128xi32, #tpu.memory_space<vmem>>
    %dma_start3A_32 = arith.constant 0 : i32
    %dma_start3A_33 = arith.constant 0 : i32
    %dma_start3A_34 = tpu.memref_slice %arg2[%dma_start3A_32, %dma_start3A_33] : memref<10000x64xf32, #tpu.memory_space<hbm>> -> memref<10000x64xf32, #tpu.memory_space<hbm>>
    tpu.enqueue_indirect_dma source(%dma_start3A_34 : memref<10000x64xf32, #tpu.memory_space<hbm>>) target(%dma_start3A_28 : memref<128x64xf32, #tpu.memory_space<vmem>>) offsets(%dma_start3A_31 : memref<128xi32, #tpu.memory_space<vmem>>) semaphore(%arg12 : memref<!tpu.dma_semaphore, #tpu.memory_space<semaphore_mem>>)
    %dma_start3A_35 = arith.constant 2 : i32
    %dma_start3A_36 = arith.constant 2 : i32
    %dma_start3A_37 = arith.constant 0 : i32
    %dma_start3A_38 = arith.constant 0 : i32
    %dma_start3A_39 = tpu.memref_slice %arg10[%dma_start3A_36, %dma_start3A_37, %dma_start3A_38] : memref<8x128x64xf32, #tpu.memory_space<vmem>> -> memref<1x128x64xf32, #tpu.memory_space<vmem>>
    %dma_start3A_40 = tpu.memref_squeeze %dma_start3A_39 : memref<1x128x64xf32, #tpu.memory_space<vmem>> -> memref<128x64xf32, #tpu.memory_space<vmem>>
    %dma_start3A_41 = arith.constant 0 : i32
    %dma_start3A_42 = tpu.memref_slice %arg8[%dma_start3A_35, %dma_start3A_41] : memref<80x128xi32, #tpu.memory_space<vmem>> -> memref<1x128xi32, #tpu.memory_space<vmem>>
    %dma_start3A_43 = tpu.memref_squeeze %dma_start3A_42 : memref<1x128xi32, #tpu.memory_space<vmem>> -> memref<128xi32, #tpu.memory_space<vmem>>
    %dma_start3A_44 = arith.constant 0 : i32
    %dma_start3A_45 = arith.constant 0 : i32
    %dma_start3A_46 = tpu.memref_slice %arg2[%dma_start3A_44, %dma_start3A_45] : memref<10000x64xf32, #tpu.memory_space<hbm>> -> memref<10000x64xf32, #tpu.memory_space<hbm>>
    tpu.enqueue_indirect_dma source(%dma_start3A_46 : memref<10000x64xf32, #tpu.memory_space<hbm>>) target(%dma_start3A_40 : memref<128x64xf32, #tpu.memory_space<vmem>>) offsets(%dma_start3A_43 : memref<128xi32, #tpu.memory_space<vmem>>) semaphore(%arg12 : memref<!tpu.dma_semaphore, #tpu.memory_space<semaphore_mem>>)
    %dma_start3A_47 = arith.constant 3 : i32
    %dma_start3A_48 = arith.constant 3 : i32
    %dma_start3A_49 = arith.constant 0 : i32
    %dma_start3A_50 = arith.constant 0 : i32
    %dma_start3A_51 = tpu.memref_slice %arg10[%dma_start3A_48, %dma_start3A_49, %dma_start3A_50] : memref<8x128x64xf32, #tpu.memory_space<vmem>> -> memref<1x128x64xf32, #tpu.memory_space<vmem>>
    %dma_start3A_52 = tpu.memref_squeeze %dma_start3A_51 : memref<1x128x64xf32, #tpu.memory_space<vmem>> -> memref<128x64xf32, #tpu.memory_space<vmem>>
    %dma_start3A_53 = arith.constant 0 : i32
    %dma_start3A_54 = tpu.memref_slice %arg8[%dma_start3A_47, %dma_start3A_53] : memref<80x128xi32, #tpu.memory_space<vmem>> -> memref<1x128xi32, #tpu.memory_space<vmem>>
    %dma_start3A_55 = tpu.memref_squeeze %dma_start3A_54 : memref<1x128xi32, #tpu.memory_space<vmem>> -> memref<128xi32, #tpu.memory_space<vmem>>
    %dma_start3A_56 = arith.constant 0 : i32
    %dma_start3A_57 = arith.constant 0 : i32
    %dma_start3A_58 = tpu.memref_slice %arg2[%dma_start3A_56, %dma_start3A_57] : memref<10000x64xf32, #tpu.memory_space<hbm>> -> memref<10000x64xf32, #tpu.memory_space<hbm>>
    tpu.enqueue_indirect_dma source(%dma_start3A_58 : memref<10000x64xf32, #tpu.memory_space<hbm>>) target(%dma_start3A_52 : memref<128x64xf32, #tpu.memory_space<vmem>>) offsets(%dma_start3A_55 : memref<128xi32, #tpu.memory_space<vmem>>) semaphore(%arg12 : memref<!tpu.dma_semaphore, #tpu.memory_space<semaphore_mem>>)
    %scan3A_59 = arith.constant 0 : i32
    %scan3A_60 = arith.constant 0 : i32
    %scan3A_61 = arith.constant 80 : i32
    %scan3A_62 = arith.addi %scan3A_60, %scan3A_61 : i32
    %scan3A_63 = arith.constant 1 : i32
    scf.for %scan3A_121 = %scan3A_60 to %scan3A_62 step %scan3A_63  : i32 {
      %jit3A = arith.constant 8 : i32
      %eq3A_122 = arith.constant 0 : i32
      %eq3A_123 = arith.cmpi eq, %jit3A, %eq3A_122 : i32
      %jit3A_124 = arith.constant 1 : i32
      %select_n3A = arith.select %eq3A_123, %jit3A_124, %jit3A : i32
      %rem3A = arith.remsi %scan3A_121, %select_n3A : i32
      %ne3A = arith.constant 0 : i32
      %ne3A_125 = arith.cmpi ne, %rem3A, %ne3A : i32
      %lt3A = arith.constant 0 : i32
      %lt3A_126 = arith.cmpi slt, %rem3A, %lt3A : i32
      %lt3A_127 = arith.constant 0 : i32
      %lt3A_128 = arith.cmpi slt, %select_n3A, %lt3A_127 : i32
      %ne3A_129 = arith.xori %lt3A_126, %lt3A_128 : i1
      %and3A = arith.andi %ne3A_129, %ne3A_125 : i1
      %add3A_130 = arith.addi %rem3A, %select_n3A : i32
      %select_n3A_131 = arith.select %and3A, %add3A_130, %rem3A : i32
      %dma_wait3A_132 = arith.constant 0 : i32
      %dma_wait3A_133 = arith.constant 0 : i32
      %dma_wait3A_134 = tpu.memref_slice %arg10[%select_n3A_131, %dma_wait3A_132, %dma_wait3A_133] : memref<8x128x64xf32, #tpu.memory_space<vmem>> -> memref<1x128x64xf32, #tpu.memory_space<vmem>>
      %dma_wait3A_135 = tpu.memref_squeeze %dma_wait3A_134 : memref<1x128x64xf32, #tpu.memory_space<vmem>> -> memref<128x64xf32, #tpu.memory_space<vmem>>
      %dma_wait3A_136 = arith.constant 0 : i32
      %dma_wait3A_137 = tpu.memref_slice %arg8[%scan3A_121, %dma_wait3A_136] : memref<80x128xi32, #tpu.memory_space<vmem>> -> memref<1x128xi32, #tpu.memory_space<vmem>>
      %dma_wait3A_138 = tpu.memref_squeeze %dma_wait3A_137 : memref<1x128xi32, #tpu.memory_space<vmem>> -> memref<128xi32, #tpu.memory_space<vmem>>
      %dma_wait3A_139 = arith.constant 0 : i32
      %dma_wait3A_140 = arith.constant 0 : i32
      %dma_wait3A_141 = tpu.memref_slice %arg2[%dma_wait3A_139, %dma_wait3A_140] : memref<10000x64xf32, #tpu.memory_space<hbm>> -> memref<10000x64xf32, #tpu.memory_space<hbm>>
      tpu.wait_indirect_dma semaphore(%arg12 : memref<!tpu.dma_semaphore, #tpu.memory_space<semaphore_mem>>) src(%dma_wait3A_141 : memref<10000x64xf32, #tpu.memory_space<hbm>>) dst(%dma_wait3A_135 : memref<128x64xf32, #tpu.memory_space<vmem>>)
      %dma_start3A_142 = arith.constant 0 : i32
      %dma_start3A_143 = arith.constant 0 : i32
      %dma_start3A_144 = tpu.memref_slice %arg10[%select_n3A_131, %dma_start3A_142, %dma_start3A_143] : memref<8x128x64xf32, #tpu.memory_space<vmem>> -> memref<1x128x64xf32, #tpu.memory_space<vmem>>
      %dma_start3A_145 = tpu.memref_squeeze %dma_start3A_144 : memref<1x128x64xf32, #tpu.memory_space<vmem>> -> memref<128x64xf32, #tpu.memory_space<vmem>>
      %dma_start3A_146 = arith.constant 0 : i32
      %dma_start3A_147 = tpu.memref_slice %arg9[%scan3A_121, %dma_start3A_146] : memref<80x128xi32, #tpu.memory_space<vmem>> -> memref<1x128xi32, #tpu.memory_space<vmem>>
      %dma_start3A_148 = tpu.memref_squeeze %dma_start3A_147 : memref<1x128xi32, #tpu.memory_space<vmem>> -> memref<128xi32, #tpu.memory_space<vmem>>
      %dma_start3A_149 = arith.constant 0 : i32
      %dma_start3A_150 = arith.constant 0 : i32
      %dma_start3A_151 = tpu.memref_slice %arg11[%dma_start3A_149, %dma_start3A_150] : memref<10112x64xf32, #tpu.memory_space<vmem_shared>> -> memref<10112x64xf32, #tpu.memory_space<vmem_shared>>
      tpu.enqueue_indirect_dma source(%dma_start3A_145 : memref<128x64xf32, #tpu.memory_space<vmem>>) target(%dma_start3A_151 : memref<10112x64xf32, #tpu.memory_space<vmem_shared>>) offsets(%dma_start3A_148 : memref<128xi32, #tpu.memory_space<vmem>>) semaphore(%arg13 : memref<!tpu.dma_semaphore, #tpu.memory_space<semaphore_mem>>) {add = true}
      %ge3A = arith.constant 4 : i32
      %ge3A_152 = arith.cmpi sge, %scan3A_121, %ge3A : i32
      %convert_element_type3A_153 = arith.extui %ge3A_152 : i1 to i32
      %cond3A_154 = arith.constant 0 : i32
      %cond3A_155 = arith.cmpi ne, %convert_element_type3A_153, %cond3A_154 : i32
      scf.if %cond3A_155 {
        %sub3A = arith.constant 4 : i32
        %sub3A_163 = arith.subi %scan3A_121, %sub3A : i32
        %jit3A_164 = arith.constant 8 : i32
        %eq3A_165 = arith.constant 0 : i32
        %eq3A_166 = arith.cmpi eq, %jit3A_164, %eq3A_165 : i32
        %jit3A_167 = arith.constant 1 : i32
        %select_n3A_168 = arith.select %eq3A_166, %jit3A_167, %jit3A_164 : i32
        %rem3A_169 = arith.remsi %sub3A_163, %select_n3A_168 : i32
        %ne3A_170 = arith.constant 0 : i32
        %ne3A_171 = arith.cmpi ne, %rem3A_169, %ne3A_170 : i32
        %lt3A_172 = arith.constant 0 : i32
        %lt3A_173 = arith.cmpi slt, %rem3A_169, %lt3A_172 : i32
        %lt3A_174 = arith.constant 0 : i32
        %lt3A_175 = arith.cmpi slt, %select_n3A_168, %lt3A_174 : i32
        %ne3A_176 = arith.xori %lt3A_173, %lt3A_175 : i1
        %and3A_177 = arith.andi %ne3A_176, %ne3A_171 : i1
        %add3A_178 = arith.addi %rem3A_169, %select_n3A_168 : i32
        %select_n3A_179 = arith.select %and3A_177, %add3A_178, %rem3A_169 : i32
        %sub3A_180 = arith.constant 4 : i32
        %sub3A_181 = arith.subi %scan3A_121, %sub3A_180 : i32
        %dma_wait3A_182 = arith.constant 0 : i32
        %dma_wait3A_183 = arith.constant 0 : i32
        %dma_wait3A_184 = tpu.memref_slice %arg10[%select_n3A_179, %dma_wait3A_182, %dma_wait3A_183] : memref<8x128x64xf32, #tpu.memory_space<vmem>> -> memref<1x128x64xf32, #tpu.memory_space<vmem>>
        %dma_wait3A_185 = tpu.memref_squeeze %dma_wait3A_184 : memref<1x128x64xf32, #tpu.memory_space<vmem>> -> memref<128x64xf32, #tpu.memory_space<vmem>>
        %dma_wait3A_186 = arith.constant 0 : i32
        %dma_wait3A_187 = tpu.memref_slice %arg9[%sub3A_181, %dma_wait3A_186] : memref<80x128xi32, #tpu.memory_space<vmem>> -> memref<1x128xi32, #tpu.memory_space<vmem>>
        %dma_wait3A_188 = tpu.memref_squeeze %dma_wait3A_187 : memref<1x128xi32, #tpu.memory_space<vmem>> -> memref<128xi32, #tpu.memory_space<vmem>>
        %dma_wait3A_189 = arith.constant 0 : i32
        %dma_wait3A_190 = arith.constant 0 : i32
        %dma_wait3A_191 = tpu.memref_slice %arg11[%dma_wait3A_189, %dma_wait3A_190] : memref<10112x64xf32, #tpu.memory_space<vmem_shared>> -> memref<10112x64xf32, #tpu.memory_space<vmem_shared>>
        tpu.wait_indirect_dma semaphore(%arg13 : memref<!tpu.dma_semaphore, #tpu.memory_space<semaphore_mem>>) src(%dma_wait3A_185 : memref<128x64xf32, #tpu.memory_space<vmem>>) dst(%dma_wait3A_191 : memref<10112x64xf32, #tpu.memory_space<vmem_shared>>)
      } else {
      }
      %add3A_156 = arith.constant 4 : i32
      %add3A_157 = arith.addi %scan3A_121, %add3A_156 : i32
      %lt3A_158 = arith.constant 80 : i32
      %lt3A_159 = arith.cmpi slt, %add3A_157, %lt3A_158 : i32
      %convert_element_type3A_160 = arith.extui %lt3A_159 : i1 to i32
      %cond3A_161 = arith.constant 0 : i32
      %cond3A_162 = arith.cmpi ne, %convert_element_type3A_160, %cond3A_161 : i32
      scf.if %cond3A_162 {
        %add3A_163 = arith.constant 4 : i32
        %add3A_164 = arith.addi %scan3A_121, %add3A_163 : i32
        %add3A_165 = arith.constant 4 : i32
        %add3A_166 = arith.addi %scan3A_121, %add3A_165 : i32
        %jit3A_167 = arith.constant 8 : i32
        %eq3A_168 = arith.constant 0 : i32
        %eq3A_169 = arith.cmpi eq, %jit3A_167, %eq3A_168 : i32
        %jit3A_170 = arith.constant 1 : i32
        %select_n3A_171 = arith.select %eq3A_169, %jit3A_170, %jit3A_167 : i32
        %rem3A_172 = arith.remsi %add3A_166, %select_n3A_171 : i32
        %ne3A_173 = arith.constant 0 : i32
        %ne3A_174 = arith.cmpi ne, %rem3A_172, %ne3A_173 : i32
        %lt3A_175 = arith.constant 0 : i32
        %lt3A_176 = arith.cmpi slt, %rem3A_172, %lt3A_175 : i32
        %lt3A_177 = arith.constant 0 : i32
        %lt3A_178 = arith.cmpi slt, %select_n3A_171, %lt3A_177 : i32
        %ne3A_179 = arith.xori %lt3A_176, %lt3A_178 : i1
        %and3A_180 = arith.andi %ne3A_179, %ne3A_174 : i1
        %add3A_181 = arith.addi %rem3A_172, %select_n3A_171 : i32
        %select_n3A_182 = arith.select %and3A_180, %add3A_181, %rem3A_172 : i32
        %dma_start3A_183 = arith.constant 0 : i32
        %dma_start3A_184 = arith.constant 0 : i32
        %dma_start3A_185 = tpu.memref_slice %arg10[%select_n3A_182, %dma_start3A_183, %dma_start3A_184] : memref<8x128x64xf32, #tpu.memory_space<vmem>> -> memref<1x128x64xf32, #tpu.memory_space<vmem>>
        %dma_start3A_186 = tpu.memref_squeeze %dma_start3A_185 : memref<1x128x64xf32, #tpu.memory_space<vmem>> -> memref<128x64xf32, #tpu.memory_space<vmem>>
        %dma_start3A_187 = arith.constant 0 : i32
        %dma_start3A_188 = tpu.memref_slice %arg8[%add3A_164, %dma_start3A_187] : memref<80x128xi32, #tpu.memory_space<vmem>> -> memref<1x128xi32, #tpu.memory_space<vmem>>
        %dma_start3A_189 = tpu.memref_squeeze %dma_start3A_188 : memref<1x128xi32, #tpu.memory_space<vmem>> -> memref<128xi32, #tpu.memory_space<vmem>>
        %dma_start3A_190 = arith.constant 0 : i32
        %dma_start3A_191 = arith.constant 0 : i32
        %dma_start3A_192 = tpu.memref_slice %arg2[%dma_start3A_190, %dma_start3A_191] : memref<10000x64xf32, #tpu.memory_space<hbm>> -> memref<10000x64xf32, #tpu.memory_space<hbm>>
        tpu.enqueue_indirect_dma source(%dma_start3A_192 : memref<10000x64xf32, #tpu.memory_space<hbm>>) target(%dma_start3A_186 : memref<128x64xf32, #tpu.memory_space<vmem>>) offsets(%dma_start3A_189 : memref<128xi32, #tpu.memory_space<vmem>>) semaphore(%arg12 : memref<!tpu.dma_semaphore, #tpu.memory_space<semaphore_mem>>)
      } else {
      }
    }
    %scan3A_64 = arith.constant 80 : i32
    %dma_wait3A = arith.constant 4 : i32
    %dma_wait3A_65 = arith.constant 76 : i32
    %dma_wait3A_66 = arith.constant 0 : i32
    %dma_wait3A_67 = arith.constant 0 : i32
    %dma_wait3A_68 = tpu.memref_slice %arg10[%dma_wait3A, %dma_wait3A_66, %dma_wait3A_67] : memref<8x128x64xf32, #tpu.memory_space<vmem>> -> memref<1x128x64xf32, #tpu.memory_space<vmem>>
    %dma_wait3A_69 = tpu.memref_squeeze %dma_wait3A_68 : memref<1x128x64xf32, #tpu.memory_space<vmem>> -> memref<128x64xf32, #tpu.memory_space<vmem>>
    %dma_wait3A_70 = arith.constant 0 : i32
    %dma_wait3A_71 = tpu.memref_slice %arg9[%dma_wait3A_65, %dma_wait3A_70] : memref<80x128xi32, #tpu.memory_space<vmem>> -> memref<1x128xi32, #tpu.memory_space<vmem>>
    %dma_wait3A_72 = tpu.memref_squeeze %dma_wait3A_71 : memref<1x128xi32, #tpu.memory_space<vmem>> -> memref<128xi32, #tpu.memory_space<vmem>>
    %dma_wait3A_73 = arith.constant 0 : i32
    %dma_wait3A_74 = arith.constant 0 : i32
    %dma_wait3A_75 = tpu.memref_slice %arg11[%dma_wait3A_73, %dma_wait3A_74] : memref<10112x64xf32, #tpu.memory_space<vmem_shared>> -> memref<10112x64xf32, #tpu.memory_space<vmem_shared>>
    tpu.wait_indirect_dma semaphore(%arg13 : memref<!tpu.dma_semaphore, #tpu.memory_space<semaphore_mem>>) src(%dma_wait3A_69 : memref<128x64xf32, #tpu.memory_space<vmem>>) dst(%dma_wait3A_75 : memref<10112x64xf32, #tpu.memory_space<vmem_shared>>)
    %dma_wait3A_76 = arith.constant 5 : i32
    %dma_wait3A_77 = arith.constant 77 : i32
    %dma_wait3A_78 = arith.constant 0 : i32
    %dma_wait3A_79 = arith.constant 0 : i32
    %dma_wait3A_80 = tpu.memref_slice %arg10[%dma_wait3A_76, %dma_wait3A_78, %dma_wait3A_79] : memref<8x128x64xf32, #tpu.memory_space<vmem>> -> memref<1x128x64xf32, #tpu.memory_space<vmem>>
    %dma_wait3A_81 = tpu.memref_squeeze %dma_wait3A_80 : memref<1x128x64xf32, #tpu.memory_space<vmem>> -> memref<128x64xf32, #tpu.memory_space<vmem>>
    %dma_wait3A_82 = arith.constant 0 : i32
    %dma_wait3A_83 = tpu.memref_slice %arg9[%dma_wait3A_77, %dma_wait3A_82] : memref<80x128xi32, #tpu.memory_space<vmem>> -> memref<1x128xi32, #tpu.memory_space<vmem>>
    %dma_wait3A_84 = tpu.memref_squeeze %dma_wait3A_83 : memref<1x128xi32, #tpu.memory_space<vmem>> -> memref<128xi32, #tpu.memory_space<vmem>>
    %dma_wait3A_85 = arith.constant 0 : i32
    %dma_wait3A_86 = arith.constant 0 : i32
    %dma_wait3A_87 = tpu.memref_slice %arg11[%dma_wait3A_85, %dma_wait3A_86] : memref<10112x64xf32, #tpu.memory_space<vmem_shared>> -> memref<10112x64xf32, #tpu.memory_space<vmem_shared>>
    tpu.wait_indirect_dma semaphore(%arg13 : memref<!tpu.dma_semaphore, #tpu.memory_space<semaphore_mem>>) src(%dma_wait3A_81 : memref<128x64xf32, #tpu.memory_space<vmem>>) dst(%dma_wait3A_87 : memref<10112x64xf32, #tpu.memory_space<vmem_shared>>)
    %dma_wait3A_88 = arith.constant 6 : i32
    %dma_wait3A_89 = arith.constant 78 : i32
    %dma_wait3A_90 = arith.constant 0 : i32
    %dma_wait3A_91 = arith.constant 0 : i32
    %dma_wait3A_92 = tpu.memref_slice %arg10[%dma_wait3A_88, %dma_wait3A_90, %dma_wait3A_91] : memref<8x128x64xf32, #tpu.memory_space<vmem>> -> memref<1x128x64xf32, #tpu.memory_space<vmem>>
    %dma_wait3A_93 = tpu.memref_squeeze %dma_wait3A_92 : memref<1x128x64xf32, #tpu.memory_space<vmem>> -> memref<128x64xf32, #tpu.memory_space<vmem>>
    %dma_wait3A_94 = arith.constant 0 : i32
    %dma_wait3A_95 = tpu.memref_slice %arg9[%dma_wait3A_89, %dma_wait3A_94] : memref<80x128xi32, #tpu.memory_space<vmem>> -> memref<1x128xi32, #tpu.memory_space<vmem>>
    %dma_wait3A_96 = tpu.memref_squeeze %dma_wait3A_95 : memref<1x128xi32, #tpu.memory_space<vmem>> -> memref<128xi32, #tpu.memory_space<vmem>>
    %dma_wait3A_97 = arith.constant 0 : i32
    %dma_wait3A_98 = arith.constant 0 : i32
    %dma_wait3A_99 = tpu.memref_slice %arg11[%dma_wait3A_97, %dma_wait3A_98] : memref<10112x64xf32, #tpu.memory_space<vmem_shared>> -> memref<10112x64xf32, #tpu.memory_space<vmem_shared>>
    tpu.wait_indirect_dma semaphore(%arg13 : memref<!tpu.dma_semaphore, #tpu.memory_space<semaphore_mem>>) src(%dma_wait3A_93 : memref<128x64xf32, #tpu.memory_space<vmem>>) dst(%dma_wait3A_99 : memref<10112x64xf32, #tpu.memory_space<vmem_shared>>)
    %dma_wait3A_100 = arith.constant 7 : i32
    %dma_wait3A_101 = arith.constant 79 : i32
    %dma_wait3A_102 = arith.constant 0 : i32
    %dma_wait3A_103 = arith.constant 0 : i32
    %dma_wait3A_104 = tpu.memref_slice %arg10[%dma_wait3A_100, %dma_wait3A_102, %dma_wait3A_103] : memref<8x128x64xf32, #tpu.memory_space<vmem>> -> memref<1x128x64xf32, #tpu.memory_space<vmem>>
    %dma_wait3A_105 = tpu.memref_squeeze %dma_wait3A_104 : memref<1x128x64xf32, #tpu.memory_space<vmem>> -> memref<128x64xf32, #tpu.memory_space<vmem>>
    %dma_wait3A_106 = arith.constant 0 : i32
    %dma_wait3A_107 = tpu.memref_slice %arg9[%dma_wait3A_101, %dma_wait3A_106] : memref<80x128xi32, #tpu.memory_space<vmem>> -> memref<1x128xi32, #tpu.memory_space<vmem>>
    %dma_wait3A_108 = tpu.memref_squeeze %dma_wait3A_107 : memref<1x128xi32, #tpu.memory_space<vmem>> -> memref<128xi32, #tpu.memory_space<vmem>>
    %dma_wait3A_109 = arith.constant 0 : i32
    %dma_wait3A_110 = arith.constant 0 : i32
    %dma_wait3A_111 = tpu.memref_slice %arg11[%dma_wait3A_109, %dma_wait3A_110] : memref<10112x64xf32, #tpu.memory_space<vmem_shared>> -> memref<10112x64xf32, #tpu.memory_space<vmem_shared>>
    tpu.wait_indirect_dma semaphore(%arg13 : memref<!tpu.dma_semaphore, #tpu.memory_space<semaphore_mem>>) src(%dma_wait3A_105 : memref<128x64xf32, #tpu.memory_space<vmem>>) dst(%dma_wait3A_111 : memref<10112x64xf32, #tpu.memory_space<vmem_shared>>)
    %scan3A_112 = arith.constant 1 : i32
    %barrier3A_113 = arith.constant 0 : index
    tpu.barrier barrier_id(%barrier3A_113)
    %eq3A = arith.constant 0 : i32
    %eq3A_114 = arith.cmpi eq, %arg0, %eq3A : i32
    %convert_element_type3A = arith.extui %eq3A_114 : i1 to i32
    %cond3A = arith.constant 0 : i32
    %cond3A_115 = arith.cmpi ne, %convert_element_type3A, %cond3A : i32
    scf.if %cond3A_115 {
      "tpu.region"() ({
        %run_scoped3A = tpu.sem_alloc : memref<!tpu.dma_semaphore, #tpu.memory_space<semaphore_mem>>
        %dma_start3A_121 = arith.constant 0 : i32
        %dma_start3A_122 = tpu.memref_slice %arg6[%mul3A_0, %dma_start3A_121] : memref<10112x64xf32, #tpu.memory_space<hbm>> -> memref<632x64xf32, #tpu.memory_space<hbm>>
        %dma_start3A_123 = arith.constant 0 : i32
        %dma_start3A_124 = tpu.memref_slice %arg11[%mul3A_0, %dma_start3A_123] : memref<10112x64xf32, #tpu.memory_space<vmem_shared>> -> memref<632x64xf32, #tpu.memory_space<vmem_shared>>
        tpu.enqueue_dma source(%dma_start3A_124 : memref<632x64xf32, #tpu.memory_space<vmem_shared>>) target(%dma_start3A_122 : memref<632x64xf32, #tpu.memory_space<hbm>>) target_semaphore(%run_scoped3A : memref<!tpu.dma_semaphore, #tpu.memory_space<semaphore_mem>>)
        %dma_wait3A_125 = arith.constant 0 : i32
        %dma_wait3A_126 = tpu.memref_slice %arg6[%mul3A_0, %dma_wait3A_125] : memref<10112x64xf32, #tpu.memory_space<hbm>> -> memref<632x64xf32, #tpu.memory_space<hbm>>
        %dma_wait3A_127 = arith.constant 0 : i32
        %dma_wait3A_128 = tpu.memref_slice %arg11[%mul3A_0, %dma_wait3A_127] : memref<10112x64xf32, #tpu.memory_space<vmem_shared>> -> memref<632x64xf32, #tpu.memory_space<vmem_shared>>
        tpu.wait_dma2 semaphore(%run_scoped3A : memref<!tpu.dma_semaphore, #tpu.memory_space<semaphore_mem>>) src(%dma_wait3A_128 : memref<632x64xf32, #tpu.memory_space<vmem_shared>>) dst(%dma_wait3A_126 : memref<632x64xf32, #tpu.memory_space<hbm>>)
        tpu.yield
      }) : () -> ()
    } else {
    }
    %eq3A_116 = arith.constant 1 : i32
    %eq3A_117 = arith.cmpi eq, %arg0, %eq3A_116 : i32
    %convert_element_type3A_118 = arith.extui %eq3A_117 : i1 to i32
    %cond3A_119 = arith.constant 0 : i32
    %cond3A_120 = arith.cmpi ne, %convert_element_type3A_118, %cond3A_119 : i32
    scf.if %cond3A_120 {
      "tpu.region"() ({
        %run_scoped3A = tpu.sem_alloc : memref<!tpu.dma_semaphore, #tpu.memory_space<semaphore_mem>>
        %dma_start3A_121 = arith.constant 0 : i32
        %dma_start3A_122 = tpu.memref_slice %arg7[%mul3A_0, %dma_start3A_121] : memref<10112x64xf32, #tpu.memory_space<hbm>> -> memref<632x64xf32, #tpu.memory_space<hbm>>
        %dma_start3A_123 = arith.constant 0 : i32
        %dma_start3A_124 = tpu.memref_slice %arg11[%mul3A_0, %dma_start3A_123] : memref<10112x64xf32, #tpu.memory_space<vmem_shared>> -> memref<632x64xf32, #tpu.memory_space<vmem_shared>>
        tpu.enqueue_dma source(%dma_start3A_124 : memref<632x64xf32, #tpu.memory_space<vmem_shared>>) target(%dma_start3A_122 : memref<632x64xf32, #tpu.memory_space<hbm>>) target_semaphore(%run_scoped3A : memref<!tpu.dma_semaphore, #tpu.memory_space<semaphore_mem>>)
        %dma_wait3A_125 = arith.constant 0 : i32
        %dma_wait3A_126 = tpu.memref_slice %arg7[%mul3A_0, %dma_wait3A_125] : memref<10112x64xf32, #tpu.memory_space<hbm>> -> memref<632x64xf32, #tpu.memory_space<hbm>>
        %dma_wait3A_127 = arith.constant 0 : i32
        %dma_wait3A_128 = tpu.memref_slice %arg11[%mul3A_0, %dma_wait3A_127] : memref<10112x64xf32, #tpu.memory_space<vmem_shared>> -> memref<632x64xf32, #tpu.memory_space<vmem_shared>>
        tpu.wait_dma2 semaphore(%run_scoped3A : memref<!tpu.dma_semaphore, #tpu.memory_space<semaphore_mem>>) src(%dma_wait3A_128 : memref<632x64xf32, #tpu.memory_space<vmem_shared>>) dst(%dma_wait3A_126 : memref<632x64xf32, #tpu.memory_space<hbm>>)
        tpu.yield
      }) : () -> ()
    } else {
    }
    return
  }
}

module attributes {stable_mosaic.version = 14 : i64} {
  func.func @body(%arg0: i32, %arg1: memref<2000x128xf32, #tpu.memory_space<vmem>>, %arg2: memref<128x256xf32, #tpu.memory_space<vmem>>, %arg3: memref<2x2000x64xf32, #tpu.memory_space<vmem>>, %arg4: memref<2000x128xf32, #tpu.memory_space<vmem>>) attributes {dimension_semantics = [#tpu.dimension_semantics<arbitrary>], iteration_bounds = array<i64: 5>, scalar_prefetch = 0 : i64, scratch_operands = 0 : i64, tpu.core_type = #tpu.core_type<tc>, window_params = [{transform_indices = @transform_0, window_bounds = array<i64: 2000, 128>}, {pipeline_mode = #tpu.pipeline_mode<synchronous>, transform_indices = @transform_1, window_bounds = array<i64: 128, 256>}, {transform_indices = @transform_2, window_bounds = array<i64: 2, 2000, 64>}, {transform_indices = @transform_3, window_bounds = array<i64: 2000, 128>}]} {
    %get3A = arith.constant 0 : index
    %get3A_0 = arith.constant 0 : index
    %get3A_1 = vector.load %arg1[%get3A, %get3A_0] : memref<2000x128xf32, #tpu.memory_space<vmem>>, vector<2000x128xf32>
    %get3A_2 = arith.constant 0 : index
    %get3A_3 = arith.constant 0 : index
    %get3A_4 = vector.load %arg2[%get3A_2, %get3A_3] : memref<128x256xf32, #tpu.memory_space<vmem>>, vector<128x256xf32>
    %dot_general3A = arith.constant dense<0.000000e+00> : vector<2000x256xf32>
    %dot_general3A_5 = tpu.matmul %get3A_1, %get3A_4, %dot_general3A {dimension_numbers = #tpu.dot_dimension_numbers<[1], [0], [0], [1], [0, 0, 1, 1], [], []>, transpose_lhs_hint = false} : vector<2000x128xf32>, vector<128x256xf32>, vector<2000x256xf32> -> vector<2000x256xf32>
    %slice3A = vector.extract_strided_slice %dot_general3A_5 {offsets = [0, 0], sizes = [2000, 64], strides = [1, 1]} : vector<2000x256xf32> to vector<2000x64xf32>
    %swap3A = arith.constant 0 : index
    %swap3A_6 = arith.constant 0 : index
    %swap3A_7 = arith.constant 0 : index
    %swap3A_8 = vector.load %arg3[%swap3A, %swap3A_6, %swap3A_7] : memref<2x2000x64xf32, #tpu.memory_space<vmem>>, vector<1x2000x64xf32>
    %swap3A_9 = vector.shape_cast %swap3A_8 : vector<1x2000x64xf32> to vector<2000x64xf32>
    %swap3A_10 = vector.shape_cast %slice3A : vector<2000x64xf32> to vector<1x2000x64xf32>
    tpu.vector_store %arg3[%swap3A, %swap3A_6, %swap3A_7], %swap3A_10 {strides = array<i32>} : memref<2x2000x64xf32, #tpu.memory_space<vmem>>, vector<1x2000x64xf32>,
    %slice3A_11 = vector.extract_strided_slice %dot_general3A_5 {offsets = [0, 64], sizes = [2000, 64], strides = [1, 1]} : vector<2000x256xf32> to vector<2000x64xf32>
    %swap3A_12 = arith.constant 1 : index
    %swap3A_13 = arith.constant 0 : index
    %swap3A_14 = arith.constant 0 : index
    %swap3A_15 = vector.load %arg3[%swap3A_12, %swap3A_13, %swap3A_14] : memref<2x2000x64xf32, #tpu.memory_space<vmem>>, vector<1x2000x64xf32>
    %swap3A_16 = vector.shape_cast %swap3A_15 : vector<1x2000x64xf32> to vector<2000x64xf32>
    %swap3A_17 = vector.shape_cast %slice3A_11 : vector<2000x64xf32> to vector<1x2000x64xf32>
    tpu.vector_store %arg3[%swap3A_12, %swap3A_13, %swap3A_14], %swap3A_17 {strides = array<i32>} : memref<2x2000x64xf32, #tpu.memory_space<vmem>>, vector<1x2000x64xf32>,
    %slice3A_18 = vector.extract_strided_slice %dot_general3A_5 {offsets = [0, 128], sizes = [2000, 128], strides = [1, 1]} : vector<2000x256xf32> to vector<2000x128xf32>
    %swap3A_19 = arith.constant 0 : index
    %swap3A_20 = arith.constant 0 : index
    %swap3A_21 = vector.load %arg4[%swap3A_19, %swap3A_20] : memref<2000x128xf32, #tpu.memory_space<vmem>>, vector<2000x128xf32>
    tpu.vector_store %arg4[%swap3A_19, %swap3A_20], %slice3A_18 {strides = array<i32>} : memref<2000x128xf32, #tpu.memory_space<vmem>>, vector<2000x128xf32>,
    return
  }
  func.func @transform_0(%arg0: i32) -> (i32, i32) {
    %c0_i32 = arith.constant 0 : i32
    %c0_i32_0 = arith.constant 0 : i32
    return %arg0, %c0_i32 : i32, i32
  }
  func.func @transform_1(%arg0: i32) -> (i32, i32) {
    %c0_i32 = arith.constant 0 : i32
    %c0_i32_0 = arith.constant 0 : i32
    %c0_i32_1 = arith.constant 0 : i32
    return %c0_i32, %c0_i32_0 : i32, i32
  }
  func.func @transform_2(%arg0: i32) -> (i32, i32, i32) {
    %c0_i32 = arith.constant 0 : i32
    %c0_i32_0 = arith.constant 0 : i32
    %c0_i32_1 = arith.constant 0 : i32
    return %c0_i32, %arg0, %c0_i32_0 : i32, i32, i32
  }
  func.func @transform_3(%arg0: i32) -> (i32, i32) {
    %c0_i32 = arith.constant 0 : i32
    %c0_i32_0 = arith.constant 0 : i32
    return %arg0, %c0_i32 : i32, i32
  }
}

module attributes {stable_mosaic.version = 14 : i64} {
  func.func @body(%arg0: i32, %arg1: memref<2000x64xf32, #tpu.memory_space<vmem>>, %arg2: memref<2000x64xf32, #tpu.memory_space<vmem>>, %arg3: memref<2000x16xf32, #tpu.memory_space<vmem>>, %arg4: memref<2000x16xf32, #tpu.memory_space<vmem>>, %arg5: memref<2000x128xf32, #tpu.memory_space<vmem>>, %arg6: memref<1x128xf32, #tpu.memory_space<vmem>>, %arg7: memref<128x128xf32, #tpu.memory_space<vmem>>, %arg8: memref<1x64xf32, #tpu.memory_space<vmem>>, %arg9: memref<2000x64xf32, #tpu.memory_space<vmem>>, %arg10: memref<2000x64xf32, #tpu.memory_space<vmem>>) attributes {dimension_semantics = [#tpu.dimension_semantics<arbitrary>], iteration_bounds = array<i64: 5>, scalar_prefetch = 0 : i64, scratch_operands = 0 : i64, tpu.core_type = #tpu.core_type<tc>, window_params = [{transform_indices = @transform_0, window_bounds = array<i64: 2000, 64>}, {transform_indices = @transform_1, window_bounds = array<i64: 2000, 64>}, {transform_indices = @transform_2, window_bounds = array<i64: 2000, 16>}, {transform_indices = @transform_3, window_bounds = array<i64: 2000, 16>}, {transform_indices = @transform_4, window_bounds = array<i64: 2000, 128>}, {pipeline_mode = #tpu.pipeline_mode<synchronous>, transform_indices = @transform_5, window_bounds = array<i64: 1, 128>}, {pipeline_mode = #tpu.pipeline_mode<synchronous>, transform_indices = @transform_6, window_bounds = array<i64: 128, 128>}, {pipeline_mode = #tpu.pipeline_mode<synchronous>, transform_indices = @transform_7, window_bounds = array<i64: 1, 64>}, {transform_indices = @transform_8, window_bounds = array<i64: 2000, 64>}, {transform_indices = @transform_9, window_bounds = array<i64: 2000, 64>}]} {
    %get3A = arith.constant 0 : index
    %get3A_0 = arith.constant 0 : index
    %get3A_1 = vector.load %arg3[%get3A, %get3A_0] : memref<2000x16xf32, #tpu.memory_space<vmem>>, vector<2000x1xf32>
    %get3A_2 = arith.constant 0 : index
    %get3A_3 = arith.constant 0 : index
    %get3A_4 = vector.load %arg4[%get3A_2, %get3A_3] : memref<2000x16xf32, #tpu.memory_space<vmem>>, vector<2000x1xf32>
    %add3A = arith.addf %get3A_1, %get3A_4 : vector<2000x1xf32>
    %max3A = arith.constant 1.000000e+00 : f32
    %max3A_5 = vector.broadcast %max3A : f32 to vector<2000x1xf32>
    %max3A_6 = arith.maximumf %add3A, %max3A_5 : vector<2000x1xf32>
    %div3A = arith.constant 1.000000e+00 : f32
    %div3A_7 = vector.broadcast %div3A : f32 to vector<2000x1xf32>
    %div3A_8 = arith.divf %div3A_7, %max3A_6 : vector<2000x1xf32>
    %get3A_9 = arith.constant 0 : index
    %get3A_10 = arith.constant 0 : index
    %get3A_11 = vector.load %arg1[%get3A_9, %get3A_10] : memref<2000x64xf32, #tpu.memory_space<vmem>>, vector<2000x64xf32>
    %get3A_12 = arith.constant 0 : index
    %get3A_13 = arith.constant 0 : index
    %get3A_14 = vector.load %arg2[%get3A_12, %get3A_13] : memref<2000x64xf32, #tpu.memory_space<vmem>>, vector<2000x64xf32>
    %concatenate3A = tpu.concatenate %get3A_11, %get3A_14 in 1 : vector<2000x64xf32>, vector<2000x64xf32> -> vector<2000x128xf32>
    %mul3A = vector.broadcast %div3A_8 : vector<2000x1xf32> to vector<2000x128xf32>
    %mul3A_15 = arith.mulf %concatenate3A, %mul3A : vector<2000x128xf32>
    %get3A_16 = arith.constant 0 : index
    %get3A_17 = arith.constant 0 : index
    %get3A_18 = vector.load %arg6[%get3A_16, %get3A_17] : memref<1x128xf32, #tpu.memory_space<vmem>>, vector<1x128xf32>
    %add3A_19 = vector.broadcast %get3A_18 : vector<1x128xf32> to vector<2000x128xf32>
    %add3A_20 = arith.addf %mul3A_15, %add3A_19 : vector<2000x128xf32>
    %get3A_21 = arith.constant 0 : index
    %get3A_22 = arith.constant 0 : index
    %get3A_23 = vector.load %arg5[%get3A_21, %get3A_22] : memref<2000x128xf32, #tpu.memory_space<vmem>>, vector<2000x128xf32>
    %add3A_24 = arith.addf %add3A_20, %get3A_23 : vector<2000x128xf32>
    %max3A_25 = arith.constant 0.000000e+00 : f32
    %max3A_26 = vector.broadcast %max3A_25 : f32 to vector<2000x128xf32>
    %max3A_27 = arith.maximumf %add3A_24, %max3A_26 : vector<2000x128xf32>
    %get3A_28 = arith.constant 0 : index
    %get3A_29 = arith.constant 0 : index
    %get3A_30 = vector.load %arg7[%get3A_28, %get3A_29] : memref<128x128xf32, #tpu.memory_space<vmem>>, vector<128x128xf32>
    %dot_general3A = arith.constant dense<0.000000e+00> : vector<2000x128xf32>
    %dot_general3A_31 = tpu.matmul %max3A_27, %get3A_30, %dot_general3A {dimension_numbers = #tpu.dot_dimension_numbers<[1], [0], [0], [1], [0, 0, 1, 1], [], []>, transpose_lhs_hint = false} : vector<2000x128xf32>, vector<128x128xf32>, vector<2000x128xf32> -> vector<2000x128xf32>
    %slice3A = vector.extract_strided_slice %dot_general3A_31 {offsets = [0, 0], sizes = [2000, 64], strides = [1, 1]} : vector<2000x128xf32> to vector<2000x64xf32>
    %swap3A = arith.constant 0 : index
    %swap3A_32 = arith.constant 0 : index
    %swap3A_33 = vector.load %arg9[%swap3A, %swap3A_32] : memref<2000x64xf32, #tpu.memory_space<vmem>>, vector<2000x64xf32>
    tpu.vector_store %arg9[%swap3A, %swap3A_32], %slice3A {strides = array<i32>} : memref<2000x64xf32, #tpu.memory_space<vmem>>, vector<2000x64xf32>,
    %slice3A_34 = vector.extract_strided_slice %dot_general3A_31 {offsets = [0, 64], sizes = [2000, 64], strides = [1, 1]} : vector<2000x128xf32> to vector<2000x64xf32>
    %get3A_35 = arith.constant 0 : index
    %get3A_36 = arith.constant 0 : index
    %get3A_37 = vector.load %arg8[%get3A_35, %get3A_36] : memref<1x64xf32, #tpu.memory_space<vmem>>, vector<1x64xf32>
    %add3A_38 = vector.broadcast %get3A_37 : vector<1x64xf32> to vector<2000x64xf32>
    %add3A_39 = arith.addf %slice3A_34, %add3A_38 : vector<2000x64xf32>
    %swap3A_40 = arith.constant 0 : index
    %swap3A_41 = arith.constant 0 : index
    %swap3A_42 = vector.load %arg10[%swap3A_40, %swap3A_41] : memref<2000x64xf32, #tpu.memory_space<vmem>>, vector<2000x64xf32>
    tpu.vector_store %arg10[%swap3A_40, %swap3A_41], %add3A_39 {strides = array<i32>} : memref<2000x64xf32, #tpu.memory_space<vmem>>, vector<2000x64xf32>,
    return
  }
  func.func @transform_0(%arg0: i32) -> (i32, i32) {
    %c0_i32 = arith.constant 0 : i32
    %c0_i32_0 = arith.constant 0 : i32
    return %arg0, %c0_i32 : i32, i32
  }
  func.func @transform_1(%arg0: i32) -> (i32, i32) {
    %c0_i32 = arith.constant 0 : i32
    %c0_i32_0 = arith.constant 0 : i32
    return %arg0, %c0_i32 : i32, i32
  }
  func.func @transform_2(%arg0: i32) -> (i32, i32) {
    %c0_i32 = arith.constant 0 : i32
    %c0_i32_0 = arith.constant 0 : i32
    return %arg0, %c0_i32 : i32, i32
  }
  func.func @transform_3(%arg0: i32) -> (i32, i32) {
    %c0_i32 = arith.constant 0 : i32
    %c0_i32_0 = arith.constant 0 : i32
    return %arg0, %c0_i32 : i32, i32
  }
  func.func @transform_4(%arg0: i32) -> (i32, i32) {
    %c0_i32 = arith.constant 0 : i32
    %c0_i32_0 = arith.constant 0 : i32
    return %arg0, %c0_i32 : i32, i32
  }
  func.func @transform_5(%arg0: i32) -> (i32, i32) {
    %c0_i32 = arith.constant 0 : i32
    %c0_i32_0 = arith.constant 0 : i32
    %c0_i32_1 = arith.constant 0 : i32
    return %c0_i32, %c0_i32_0 : i32, i32
  }
  func.func @transform_6(%arg0: i32) -> (i32, i32) {
    %c0_i32 = arith.constant 0 : i32
    %c0_i32_0 = arith.constant 0 : i32
    %c0_i32_1 = arith.constant 0 : i32
    return %c0_i32, %c0_i32_0 : i32, i32
  }
  func.func @transform_7(%arg0: i32) -> (i32, i32) {
    %c0_i32 = arith.constant 0 : i32
    %c0_i32_0 = arith.constant 0 : i32
    %c0_i32_1 = arith.constant 0 : i32
    return %c0_i32, %c0_i32_0 : i32, i32
  }
  func.func @transform_8(%arg0: i32) -> (i32, i32) {
    %c0_i32 = arith.constant 0 : i32
    %c0_i32_0 = arith.constant 0 : i32
    return %arg0, %c0_i32 : i32, i32
  }
  func.func @transform_9(%arg0: i32) -> (i32, i32) {
    %c0_i32 = arith.constant 0 : i32
    %c0_i32_0 = arith.constant 0 : i32
    return %arg0, %c0_i32 : i32, i32
  }
}

module attributes {stable_mosaic.version = 14 : i64} {
  func.func @body(%arg0: i32, %arg1: memref<2000x64xf32, #tpu.memory_space<vmem>>, %arg2: memref<2000x64xf32, #tpu.memory_space<vmem>>, %arg3: memref<2000x16xf32, #tpu.memory_space<vmem>>, %arg4: memref<2000x16xf32, #tpu.memory_space<vmem>>, %arg5: memref<2000x64xf32, #tpu.memory_space<vmem>>, %arg6: memref<2000x64xf32, #tpu.memory_space<vmem>>) attributes {dimension_semantics = [#tpu.dimension_semantics<arbitrary>], iteration_bounds = array<i64: 5>, scalar_prefetch = 0 : i64, scratch_operands = 0 : i64, tpu.core_type = #tpu.core_type<tc>, window_params = [{transform_indices = @transform_0, window_bounds = array<i64: 2000, 64>}, {transform_indices = @transform_1, window_bounds = array<i64: 2000, 64>}, {transform_indices = @transform_2, window_bounds = array<i64: 2000, 16>}, {transform_indices = @transform_3, window_bounds = array<i64: 2000, 16>}, {transform_indices = @transform_4, window_bounds = array<i64: 2000, 64>}, {transform_indices = @transform_5, window_bounds = array<i64: 2000, 64>}]} {
    %get3A = arith.constant 0 : index
    %get3A_0 = arith.constant 0 : index
    %get3A_1 = vector.load %arg3[%get3A, %get3A_0] : memref<2000x16xf32, #tpu.memory_space<vmem>>, vector<2000x1xf32>
    %get3A_2 = arith.constant 0 : index
    %get3A_3 = arith.constant 0 : index
    %get3A_4 = vector.load %arg4[%get3A_2, %get3A_3] : memref<2000x16xf32, #tpu.memory_space<vmem>>, vector<2000x1xf32>
    %add3A = arith.addf %get3A_1, %get3A_4 : vector<2000x1xf32>
    %max3A = arith.constant 1.000000e+00 : f32
    %max3A_5 = vector.broadcast %max3A : f32 to vector<2000x1xf32>
    %max3A_6 = arith.maximumf %add3A, %max3A_5 : vector<2000x1xf32>
    %div3A = arith.constant 1.000000e+00 : f32
    %div3A_7 = vector.broadcast %div3A : f32 to vector<2000x1xf32>
    %div3A_8 = arith.divf %div3A_7, %max3A_6 : vector<2000x1xf32>
    %get3A_9 = arith.constant 0 : index
    %get3A_10 = arith.constant 0 : index
    %get3A_11 = vector.load %arg1[%get3A_9, %get3A_10] : memref<2000x64xf32, #tpu.memory_space<vmem>>, vector<2000x64xf32>
    %get3A_12 = arith.constant 0 : index
    %get3A_13 = arith.constant 0 : index
    %get3A_14 = vector.load %arg2[%get3A_12, %get3A_13] : memref<2000x64xf32, #tpu.memory_space<vmem>>, vector<2000x64xf32>
    %add3A_15 = arith.addf %get3A_11, %get3A_14 : vector<2000x64xf32>
    %mul3A = vector.broadcast %div3A_8 : vector<2000x1xf32> to vector<2000x64xf32>
    %mul3A_16 = arith.mulf %add3A_15, %mul3A : vector<2000x64xf32>
    %get3A_17 = arith.constant 0 : index
    %get3A_18 = arith.constant 0 : index
    %get3A_19 = vector.load %arg5[%get3A_17, %get3A_18] : memref<2000x64xf32, #tpu.memory_space<vmem>>, vector<2000x64xf32>
    %add3A_20 = arith.addf %mul3A_16, %get3A_19 : vector<2000x64xf32>
    %reduce_max3A = arith.constant dense<0xFF800000> : vector<2000xf32>
    %reduce_max3A_21 = vector.multi_reduction <maximumf>, %add3A_20, %reduce_max3A [1] : vector<2000x64xf32> to vector<2000xf32>
    %broadcast_in_dim3A = vector.shape_cast %reduce_max3A_21 : vector<2000xf32> to vector<2000x1xf32>
    %sub3A = vector.broadcast %broadcast_in_dim3A : vector<2000x1xf32> to vector<2000x64xf32>
    %sub3A_22 = arith.subf %add3A_20, %sub3A : vector<2000x64xf32>
    %exp3A = math.exp %sub3A_22 : vector<2000x64xf32>
    %sub3A_23 = vector.broadcast %broadcast_in_dim3A : vector<2000x1xf32> to vector<2000x64xf32>
    %sub3A_24 = arith.subf %add3A_20, %sub3A_23 : vector<2000x64xf32>
    %reduce_sum3A = arith.constant dense<0.000000e+00> : vector<2000xf32>
    %reduce_sum3A_25 = vector.multi_reduction <add>, %exp3A, %reduce_sum3A [1] : vector<2000x64xf32> to vector<2000xf32>
    %broadcast_in_dim3A_26 = vector.shape_cast %reduce_sum3A_25 : vector<2000xf32> to vector<2000x1xf32>
    %log3A = math.log %broadcast_in_dim3A_26 : vector<2000x1xf32>
    %sub3A_27 = vector.broadcast %log3A : vector<2000x1xf32> to vector<2000x64xf32>
    %sub3A_28 = arith.subf %sub3A_24, %sub3A_27 : vector<2000x64xf32>
    %swap3A = arith.constant 0 : index
    %swap3A_29 = arith.constant 0 : index
    %swap3A_30 = vector.load %arg6[%swap3A, %swap3A_29] : memref<2000x64xf32, #tpu.memory_space<vmem>>, vector<2000x64xf32>
    tpu.vector_store %arg6[%swap3A, %swap3A_29], %sub3A_28 {strides = array<i32>} : memref<2000x64xf32, #tpu.memory_space<vmem>>, vector<2000x64xf32>,
    return
  }
  func.func @transform_0(%arg0: i32) -> (i32, i32) {
    %c0_i32 = arith.constant 0 : i32
    %c0_i32_0 = arith.constant 0 : i32
    return %arg0, %c0_i32 : i32, i32
  }
  func.func @transform_1(%arg0: i32) -> (i32, i32) {
    %c0_i32 = arith.constant 0 : i32
    %c0_i32_0 = arith.constant 0 : i32
    return %arg0, %c0_i32 : i32, i32
  }
  func.func @transform_2(%arg0: i32) -> (i32, i32) {
    %c0_i32 = arith.constant 0 : i32
    %c0_i32_0 = arith.constant 0 : i32
    return %arg0, %c0_i32 : i32, i32
  }
  func.func @transform_3(%arg0: i32) -> (i32, i32) {
    %c0_i32 = arith.constant 0 : i32
    %c0_i32_0 = arith.constant 0 : i32
    return %arg0, %c0_i32 : i32, i32
  }
  func.func @transform_4(%arg0: i32) -> (i32, i32) {
    %c0_i32 = arith.constant 0 : i32
    %c0_i32_0 = arith.constant 0 : i32
    return %arg0, %c0_i32 : i32, i32
  }
  func.func @transform_5(%arg0: i32) -> (i32, i32) {
    %c0_i32 = arith.constant 0 : i32
    %c0_i32_0 = arith.constant 0 : i32
    return %arg0, %c0_i32 : i32, i32
  }
}

</mosaic_0001>

<sc_bundles>
// kernel: kernel.10.cloned.1.call-start
scs
__scs_entry_jumppad:
0x0: {  	(pc) =	sbr.rel $0x88, $3  }
0x1: {  	(tag) =	ssettag $0x0;
	lr =	simm.s32 $0x1  }
0x2: {  	[smem:$0x3F99] =	sst lr;
	_ =	strace $0xD0000000  }
0x3: {  	_ = 	snop  }
0x4: {  	_ = 	snop  }
0x5: {  	_ = 	snop  }
0x6: {  	_ = 	snop  }
0x7: {  	_ = 	snop  }
__scs_overlays_trampoline_lowered:
0x8: {  	[smem:$0x3FA8] =	sst s0  }
0x9: {  	[smem:$0x3FA9] =	sst s1  }
0xa: {  	[smem:$0x3FAA] =	sst s2  }
0xb: {  	[smem:$0x3FAB] =	sst s3  }
0xc: {  	[smem:$0x3FAC] =	sst s4  }
0xd: {  	[smem:$0x3FAD] =	sst s5  }
0xe: {  	[smem:$0x3FAE] =	sst s6  }
0xf: {  	[smem:$0x3FAF] =	sst s7  }
0x10: {  	[smem:$0x3FB0] =	sst s8  }
0x11: {  	[smem:$0x3FB1] =	sst s9;
	s0 =	simm.s32 @!p0 $0x0  }
0x12: {  	s1 =	sld [smem:$0x3F97];
	s0 =	simm.s32 @p0 $0x1  }
0x13: {  	[smem:$0x3FB2] =	sst s0;
	s0 =	simm.s32 @!p1 $0x0  }
0x14: {  	s2 =	sld [smem:$0x3F96];
	s0 =	simm.s32 @p1 $0x1  }
0x15: {  	[smem:$0x3FB3] =	sst s0;
	s0 =	simm.s32 @!p2 $0x0  }
0x16: {  	s3 =	sld [smem:$0x3FDB];
	s0 =	simm.s32 @p2 $0x1  }
0x17: {  	s4 =	simm.s32 $0x1BF5;
	[smem:$0x3FB5] =	sst s0  }
0x18: {  	s0 =	sld [smem:$0x3F98];
	_ =	swait.ge [sflag:s4], $0x0  }
0x19: {  	s7 =	sld [smem:$0x3F99]  }
0x1a: {  	s8 =	sadd.s32 $0xFFFFE003, lr  }
0x1b: {  	s9 =	sadd.s32 $0xFFFFFEF7, lr;
	s5 =	simm.s32 $0xFFFFFFFF;
	p2 =	slt.u32 s8, $0xFFFFF086  }
0x1c: {  	p1 =	slt.u32 s9, $0xF7A;
	s5 =	simm.s32 @!p2 $0x0  }
0x1d: {  	s5 =	simm.s32 @p1 $0x1;
	p0 =	seq.s32 s7, s2  }
0x1e: {  	s7 =	smul.u32 @!p0 $0xF7A, s2;
	p2 =	seq.s32 @!p0 s5, $0x0  }
0x1f: {  	s9 =	smul.u32 $0xF7A, s1;
	s8 =	simm.s32 @!p0 $0x1BF5;
	p2 =	por !p2, p0  }
0x20: {  	[sflag:s8] =	ssyncset.s32 @!p0 $0xFFFFF086;
	s6 =	sadd.s32 @!p0 s3, s7;
	s7 =	simm.s32 @!p0 $0x108  }
0x21: {  	s3 =	sadd.s32 s3, s9;
	s6 =	sadd.s32 @!p0 $0x88, s6;
	s7 =	simm.s32 @p2 $0x1082  }
0x22: {  	[simem:s7], [sflag:s8] =	dma.local @!p0 [hbm:s6], $0xF7A  }
0x23: {  	s9 =	sor.u32 $0xD0000000, s2;
	s6 =	simm.s32 $0x108;
	_ =	swait.ge @!p0 [sflag:s8], $0x0  }
0x24: {  	s3 =	sadd.s32 $0x88, s3;
	s6 =	simm.s32 @!p1 $0x1082;
	[sflag:s4] =	ssyncset.s32 $0xFFFFF086  }
0x25: {  	[simem:s6], [sflag:s4] =	dma.local [hbm:s3], $0xF7A  }
0x26: {  	[smem:$0x3F99] =	sst s1;
	(tag) =	ssettag s2;
	_ =	strace s9  }
0x27: {  	s1 =	sld [smem:$0x3FA9]  }
0x28: {  	s2 =	sld [smem:$0x3FAA]  }
0x29: {  	s4 =	sld [smem:$0x3FAC]  }
0x2a: {  	p0 =	seq.s32 s5, $0x0;
	s5 =	sld [smem:$0x3FAD]  }
0x2b: {  	s6 =	sld [smem:$0x3FAE]  }
0x2c: {  	s7 =	sld [smem:$0x3FAF]  }
0x2d: {  	s3 =	simm.s32 $0x108;
	s8 =	sld [smem:$0x3FB0]  }
0x2e: {  	s3 =	simm.s32 @!p0 $0x1082;
	s9 =	sld [smem:$0x3FB1]  }
0x2f: {  	lr =	sadd.s32 s0, s3;
	s0 =	sld [smem:$0x3FA8]  }
0x30: {  	s3 =	sld [smem:$0x3FAB]  }
0x31: {  	[smem:$0x3FB4] =	sst s10  }
0x32: {  	s10 =	sld [smem:$0x3FB2];
	_ =	sdelay $0x3  }
0x33: {  	p0 =	seq.s32 s10, $0x1;
	s10 =	sld [smem:$0x3FB4];
	_ =	sdelay $0x3  }
0x34: {  	[smem:$0x3FB4] =	sst s10  }
0x35: {  	s10 =	sld [smem:$0x3FB3];
	_ =	sdelay $0x3  }
0x36: {  	p1 =	seq.s32 s10, $0x1;
	s10 =	sld [smem:$0x3FB4];
	_ =	sdelay $0x3  }
0x37: {  	[smem:$0x3FB4] =	sst s10  }
0x38: {  	s10 =	sld [smem:$0x3FB5]  }
0x39: {  	_ = 	snop;
	(pc) =	sbr.ind lr, $3  }
0x3a: {  	_ = 	snop  }
0x3b: {  	_ = 	snop  }
0x3c: {  	p2 =	seq.s32 s10, $0x1;
	s10 =	sld [smem:$0x3FB4]  }
0x3d: {  	_ =	shalt  }
0x3e: {  	_ =	shalt  }
0x3f: {  	_ =	shalt  }
0x40: {  	_ =	shalt  }
0x41: {  	_ =	shalt  }
0x42: {  	_ =	shalt  }
0x43: {  	_ =	shalt  }
0x44: {  	_ =	shalt  }
0x45: {  	_ =	shalt  }
0x46: {  	_ =	shalt  }
0x47: {  	_ =	shalt  }
0x48: {  	_ =	shalt  }
0x49: {  	_ =	shalt  }
0x4a: {  	_ =	shalt  }
0x4b: {  	_ =	shalt  }
0x4c: {  	_ =	shalt  }
0x4d: {  	_ =	shalt  }
0x4e: {  	_ =	shalt  }
0x4f: {  	_ =	shalt  }
0x50: {  	_ =	shalt  }
0x51: {  	_ =	shalt  }
0x52: {  	_ =	shalt  }
0x53: {  	_ =	shalt  }
0x54: {  	_ =	shalt  }
0x55: {  	_ =	shalt  }
0x56: {  	_ =	shalt  }
0x57: {  	_ =	shalt  }
0x58: {  	_ =	shalt  }
0x59: {  	_ =	shalt  }
0x5a: {  	_ =	shalt  }
0x5b: {  	_ =	shalt  }
0x5c: {  	_ =	shalt  }
0x5d: {  	_ =	shalt  }
0x5e: {  	_ =	shalt  }
0x5f: {  	_ =	shalt  }
0x60: {  	_ =	shalt  }
0x61: {  	_ =	shalt  }
0x62: {  	_ =	shalt  }
0x63: {  	_ =	shalt  }
0x64: {  	_ =	shalt  }
0x65: {  	_ =	shalt  }
0x66: {  	_ =	shalt  }
0x67: {  	_ =	shalt  }
0x68: {  	_ =	shalt  }
0x69: {  	_ =	shalt  }
0x6a: {  	_ =	shalt  }
0x6b: {  	_ =	shalt  }
0x6c: {  	_ =	shalt  }
0x6d: {  	_ =	shalt  }
0x6e: {  	_ =	shalt  }
0x6f: {  	_ =	shalt  }
0x70: {  	_ =	shalt  }
0x71: {  	_ =	shalt  }
0x72: {  	_ =	shalt  }
0x73: {  	_ =	shalt  }
0x74: {  	_ =	shalt  }
0x75: {  	_ =	shalt  }
0x76: {  	_ =	shalt  }
0x77: {  	_ =	shalt  }
0x78: {  	_ =	shalt  }
0x79: {  	_ =	shalt  }
0x7a: {  	_ =	shalt  }
0x7b: {  	_ =	shalt  }
0x7c: {  	_ =	shalt  }
0x7d: {  	_ =	shalt  }
0x7e: {  	_ =	shalt  }
0x7f: {  	_ =	shalt  }
0x80: {  	_ =	shalt  }
0x81: {  	_ =	shalt  }
0x82: {  	_ =	shalt  }
0x83: {  	_ =	shalt  }
0x84: {  	_ =	shalt  }
0x85: {  	_ =	shalt  }
0x86: {  	_ =	shalt  }
0x87: {  	_ =	shalt  }
.Lfunc_end0:
.L_simem_size_0:
called_computation.1_lowered:
.L_overlay_start_0:
0x88: {  	s2 =	sld [smem:$0x3FD9]  }
0x89: {  	s3 =	sld [smem:$0x3FFE];
	_ =	sdelay $0x1  }
0x8a: {  	s1 =	srdreg.scid  }
0x8b: {  	s0 =	sand.u32 $0x1, s1  }
0x8c: {  	s17 =	sshll.u32 s0, $0xA;
	s2 =	sadd.s32 s3, s2  }
0x8d: {  	s2 =	sadd.s32 s2, s17  }
0x8e: {  	[smem:$0x3FC0] =	sst s2  }
0x8f: {  	_ = 	snop  }
0x90: {  	s2 =	sld [smem:$0x3FD0];
	(tm) =	ssettm $0x1  }
0x91: {  	s18 =	sld [smem:$0x3FFB];
	_ =	sdelay $0x3  }
0x92: {  	_ =	strace s18  }
0x93: {  	s3 =	sld [smem:$0x3FFC];
	_ =	sdelay $0x3  }
0x94: {  	_ =	strace s3  }
0x95: {  	s3 =	sld [smem:$0x3FFD];
	_ =	sdelay $0x3  }
0x96: {  	_ =	strace s3  }
0x97: {  	_ =	strace $0x8FFFFFFF  }
0x98: {  	s19 =	sld [smem:$0x3FDB];
	_ =	sdelay $0x1  }
0x99: {  	s4 =	simm.s32 $_scs_section_size  }
0x9a: {  	s5 =	simm.s32 $_size__tile_overlayer_lowered;
	s6 =	simm.s32 $_tile_overlayer_lowered  }
0x9b: {  	s22 =	simm.s32 $0x1BFF;
	s21 =	sshll.u32 s6, $0x1;
	s3 =	sadd.s32 s4, s19  }
0x9c: {  	s7 =	simm.s32 $0x0;
	s20 =	sshll.u32 s5, $0x1;
	s5 =	sadd.s32 s21, s3  }
0x9d: {  	[timem:s7], [sflag:s22] =	dma.local [hbm:s5], s20  }
0x9e: {  	_ =	swait.ge [sflag:s22], s20  }
0x9f: {  	s4 =	ssub.s32 $0x0, s20;
	[sflag:s22] =	ssyncset.done $0x0  }
0xa0: {  	[sflag:s22] =	ssyncadd.s32 s4;
	_ =	sdelay $0x1  }
0xa1: {  	s23 =	simm.s32 $0x1B8B  }
0xa2: {  	_ =	swait.ge [sflag:s23], $0x1  }
0xa3: {  	[sflag:s23] =	ssyncset.done $0x0  }
0xa4: {  	s25 =	simm.s32 $0x1B8E;
	s24 =	sld [smem:$0x3FFE];
	[sflag:s23] =	ssyncadd.s32 $0xFFFFFFFF  }
0xa5: {  	s26 =	simm.s32 $execute0_lowered;
	[smem:$0x3FD2] =	sst s25  }
0xa6: {  	s5 =	sshll.u32 s26, $0x1;
	_ =	strace $0x80000049;
	[dreg:$0x1] =	wrdreg $0xFFFFFFFF  }
0xa7: {  	s28 =	simm.s32 $_size_execute0_lowered;
	s3 =	sadd.s32 s3, s5;
	[dreg:$0x0] =	wrdreg $0x0  }
0xa8: {  	s5 =	sshll.u32 s28, $0x1;
	[dreg:$0x2] =	wrdreg s3  }
0xa9: {  	[dreg:$0x3] =	wrdreg s5  }
0xaa: {  	[dreg:$0x4] =	wrdreg $0xC0  }
0xab: {  	_ =	task [dreg:s7], $0x5FFFF  }
0xac: {  	[dreg:$0x1] =	wrdreg $0xFFFFFFFF  }
0xad: {  	[dreg:$0x0] =	wrdreg $0x60  }
0xae: {  	[dreg:$0x2] =	wrdreg s24  }
0xaf: {  	[dreg:$0x3] =	wrdreg s2  }
0xb0: {  	[dreg:$0x4] =	wrdreg $0x150000  }
0xb1: {  	[dreg:$0x5] =	wrdreg $0x9  }
0xb2: {  	_ =	task.clear_ibuf [dreg:s7], $0x6FFFF;
	_ =	strace $0x90000049  }
0xb3: {  	s29 =	simm.s32 $0x9;
	_ =	strace $0x8000004B  }
0xb4: {  	_ =	swait.ge [sflag:s29], $0x1  }
0xb5: {  	[sflag:s29] =	ssyncadd.s32 $0xFFFFFFFF  }
0xb6: {  	_ =	strace $0x9000004B  }
0xb7: {  	_ =	sfence  }
0xb8: {  	s30 =	sld [smem:$0x0];
	_ =	sdelay $0x2  }
0xb9: {  	s31 =	sshll.u32 s1, $0xD;
	s1 =	sshrl.u32 s1, $0x2  }
0xba: {  	s3 =	sand.u32 $0x4000, s31;
	s1 =	sadd.s32 s1, s30  }
0xbb: {  	s0 =	sor.u32 s3, s0;
	s1 =	sshll.u32 s1, $0x11  }
0xbc: {  	s0 =	sor.u32 s1, s0  }
0xbd: {  	s0 =	sadd.s32 $0x8F2B, s0  }
0xbe: {  	[sflag:s0] =	ssyncadd.remote.s32 $0x1  }
0xbf: {  	_ =	sfence.sel $0xFFFF  }
0xc0: {  	[dreg:$0x0] =	wrdreg $0xFFFFFFFF;
	(pc) =	sbr.abs _section_cstart, $3  }
0xc1: {  	[dreg:$0x1] =	wrdreg $0xFFFFFFFF  }
0xc2: {  	_ =	task.clear_ibuf [dreg:s7], $0x2FFFF;
	_ =	strace $0x9FFFFFFF  }
0xc3: {  	(tm) =	ssettm $0x7FFFFFFF  }
tec
execute0_lowered:
.L_overlay_start_1:
0x0: {  	(tag) =	ssettag $0x1  }
0x1: {  	s1 =	rddreg [dreg:$0x0]  }
0x2: {  	s0 =	srdreg.scid;
	s5 =	rddreg [dreg:$0x1]  }
0x3: {  	s13 =	stileid.u32;
	s2 =	rddreg [dreg:$0x2];
	s14 =	simm.s32 $0x80  }
0x4: {  	s15 =	simm.s32 $0x5000;
	s16 =	simm.s32 $0x7000;
	s18 =	simm.s32 $0x9000  }
0x5: {  	s20 =	simm.s32 $0xB000;
	s21 =	simm.s32 $0x1;
	s31 =	simm.s32 $0x2980  }
0x6: {  	s17 =	simm.s32 $0x2;
	s19 =	simm.s32 $0x0;
	s0 =	sand.u32 $0x1, s0  }
0x7: {  	s8 =	smul.u32 $0x9E00, s13;
	s30 =	sshll.u32 s13, $0x6;
	s3 =	sshll.u32 s0, $0x4  }
0x8: {  	s7 =	ssub.s32 $0x2, s0;
	p0 =	seq.s32 s0, $0x1;
	s0 =	simm.s32 $0x64A00  }
0x9: {  	s4 =	sor.u32 s13, s3;
	s3 =	simm.s32 $0x0;
	s9 =	sshrl.u32 s7, $0x1  }
0xa: {  	s11 =	sadd.s32 s8, s2;
	s12 =	sshrl.u32 s8, $0x3;
	s0 =	simm.s32 @!p0 $0x78600  }
0xb: {  	s13 =	simm.s32 $0x2800;
	s6 =	smul.u32 $0x500, s4;
	[smem:$0x7FF] =	sst s3  }
0xc: {  	s4 =	sadd.s32 $0x2000, s1;
	s9 =	ssub.s32 s7, s9;
	s5 =	sadd.s32 s5, s12  }
0xd: {  	s0 =	sadd.s32 s0, s1;
	s11 =	sshrl.u32 s11, $0x3;
	_ =	strace $0x8000004A  }
0xe: {  	s9 =	smax.u32 s9, $0x1;
	s10 =	sadd.s32 s6, s1;
	s6 =	sor.u32 $0x1C03, s30  }
0xf: {  	s1 =	simm.s32 $0x380;
	s7 =	sadd.s32 $0x29200, s10;
	s8 =	sadd.s32 $0x33200, s10  }
0x10: {  	s10 =	sadd.s32 s0, s12;
	s12 =	simm.s32 $0x3;
	s0 =	simm.s32 $0x13000  }
.LBB2_1:
0x11: {  	[spmem:s11], [sflag:s6] =	dma.local [hbm:s5], $0x13C0  }
0x12: {  	_ =	swait.ge [sflag:s12], $0x13C0  }
0x13: {  	[sflag:s12] =	ssyncset.done $0x0  }
0x14: {  	[sflag:s12] =	ssyncadd.s32 $0xFFFFEC40  }
0x15: {  	[bflag:$0x0] =	sbarrier.arrive $0xFFFF  }
0x16: {  	[tilespmem:s3], [sflag:$0x3] =	stream.linear.gather [hbm4b:s7+s3], $0x2800, $0x38;
	[tilespmem:$0x1EE00] =	vst v63  }
0x17: {  	_ =	swait.ge [sflag:s12], $0x2800  }
0x18: {  	[sflag:s12] =	ssyncset.done $0x0  }
0x19: {  	[sflag:s12] =	ssyncadd.s32 $0xFFFFD800  }
0x1a: {  	[tilespmem:s13], [sflag:$0x3] =	stream.linear.gather [hbm4b:s8+s3], $0x2800, $0x38;
	[tilespmem:$0x1EE00] =	vst v63  }
0x1b: {  	_ =	swait.ge [sflag:s12], $0x2800  }
0x1c: {  	[sflag:s12] =	ssyncset.done $0x0  }
0x1d: {  	[sflag:s12] =	ssyncadd.s32 $0xFFFFD800  }
0x1e: {  	[tilespmem:s15], [sflag:$0x1] =	stream.indirect.gather [hbm4b:s4+s14], $0x40, s3, s14, $0xb8;
	[tilespmem:$0x1EE00] =	vst v63  }
0x1f: {  	_ = 	snop  }
0x20: {  	[tilespmem:s16], [sflag:$0x1] =	stream.indirect.gather [hbm4b:s4+s14], $0x40, s14, s14, $0xb8;
	[tilespmem:$0x1EE00] =	vst v63  }
0x21: {  	s22 =	simm.s32 $0x100  }
0x22: {  	[tilespmem:s18], [sflag:$0x1] =	stream.indirect.gather [hbm4b:s4+s14], $0x40, s22, s14, $0xb8;
	[tilespmem:$0x1EE00] =	vst v63  }
0x23: {  	s25 =	simm.s32 $0x180  }
0x24: {  	[tilespmem:s20], [sflag:$0x1] =	stream.indirect.gather [hbm4b:s4+s14], $0x40, s25, s14, $0xb8;
	[tilespmem:$0x1EE00] =	vst v63  }
0x25: {  	_ =	swait.ge [sflag:s21], $0x2000  }
0x26: {  	[sflag:s21] =	ssyncset.done $0x0  }
0x27: {  	[sflag:s21] =	ssyncadd.s32 $0xFFFFE000  }
0x28: {  	[spmem:s2] =	stream.indirect.scatter.add.f32 [tilespmem:s15], [sflag:$0x2], $0x40, s13, s14, $0xb8;
	[tilespmem:$0x1EE00] =	vst v63  }
0x29: {  	s26 =	simm.s32 $0x200;
	s23 =	simm.s32 $0xD000  }
0x2a: {  	[tilespmem:s23], [sflag:$0x1] =	stream.indirect.gather [hbm4b:s4+s14], $0x40, s26, s14, $0xb8;
	[tilespmem:$0x1EE00] =	vst v63  }
0x2b: {  	_ =	swait.ge [sflag:s21], $0x2000  }
0x2c: {  	[sflag:s21] =	ssyncset.done $0x0  }
0x2d: {  	s30 =	simm.s32 $0x2880;
	[sflag:s21] =	ssyncadd.s32 $0xFFFFE000  }
0x2e: {  	[spmem:s2] =	stream.indirect.scatter.add.f32 [tilespmem:s16], [sflag:$0x2], $0x40, s30, s14, $0xb8;
	[tilespmem:$0x1EE00] =	vst v63  }
0x2f: {  	s24 =	simm.s32 $0xF000;
	s23 =	simm.s32 $0x280  }
0x30: {  	[tilespmem:s24], [sflag:$0x1] =	stream.indirect.gather [hbm4b:s4+s14], $0x40, s23, s14, $0xb8;
	[tilespmem:$0x1EE00] =	vst v63  }
0x31: {  	_ =	swait.ge [sflag:s21], $0x2000  }
0x32: {  	[sflag:s21] =	ssyncset.done $0x0  }
0x33: {  	s25 =	simm.s32 $0x2900;
	[sflag:s21] =	ssyncadd.s32 $0xFFFFE000  }
0x34: {  	[spmem:s2] =	stream.indirect.scatter.add.f32 [tilespmem:s18], [sflag:$0x2], $0x40, s25, s14, $0xb8;
	[tilespmem:$0x1EE00] =	vst v63  }
0x35: {  	s26 =	simm.s32 $0x300;
	s30 =	simm.s32 $0x11000  }
0x36: {  	[tilespmem:s30], [sflag:$0x1] =	stream.indirect.gather [hbm4b:s4+s14], $0x40, s26, s14, $0xb8;
	[tilespmem:$0x1EE00] =	vst v63  }
0x37: {  	_ =	swait.ge [sflag:s21], $0x2000  }
0x38: {  	[sflag:s21] =	ssyncset.done $0x0  }
0x39: {  	p0 =	por $0x0, $0x0;
	[sflag:s21] =	ssyncadd.s32 $0xFFFFE000  }
0x3a: {  	[spmem:s2] =	stream.indirect.scatter.add.f32 [tilespmem:s20], [sflag:$0x2], $0x40, s31, s14, $0xb8;
	[tilespmem:$0x1EE00] =	vst v63  }
0x3b: {  	s29 =	simm.s32 @!p0 $0x80  }
0x3c: {  	[tilespmem:s0], [sflag:$0x1] =	stream.indirect.gather [hbm4b:s4+s14], $0x40, s1, s14, $0xb8;
	[tilespmem:$0x1EE00] =	vst v63  }
0x3d: {  	s22 =	simm.s32 $0x400;
	s24 =	simm.s32 $0x8000;
	_ =	swait.ge [sflag:s21], $0x2000  }
0x3e: {  	s23 =	simm.s32 $0x5;
	s28 =	sand.u32 $0xE000, s24;
	[sflag:s21] =	ssyncset.done $0x0  }
0x3f: {  	s28 =	sadd.s32 $0x5000, s28;
	s25 =	simm.s32 $0x2A00;
	[sflag:s21] =	ssyncadd.s32 $0xFFFFE000  }
0x40: {  	[spmem:s2] =	stream.indirect.scatter.add.f32 [tilespmem:s28], [sflag:$0x2], $0x40, s25, s14, $0xb8;
	[tilespmem:$0x1EE00] =	vst v63  }
0x41: {  	s24 =	simm.s32 $0x2A80;
	s26 =	simm.s32 $0x10000;
	_ =	swait.ge [sflag:s17], $0x2000  }
0x42: {  	s25 =	simm.s32 $0x480;
	s28 =	sand.u32 @!p0 $0xE000, s26;
	[sflag:s17] =	ssyncset.done $0x0  }
0x43: {  	s26 =	simm.s32 $0x12000;
	s28 =	sadd.s32 @!p0 $0x5000, s28;
	[sflag:s17] =	ssyncadd.s32 $0xFFFFE000  }
.LBB2_2:
0x44: {  	[tilespmem:s28], [sflag:$0x1] =	stream.indirect.gather @!p0 [hbm4b:s4+s29], $0x40, s22, s29, $0xb8;
	[tilespmem:$0x1EE00] =	vst v63  }
0x45: {  	s28 =	smov.u32 s23;
	s29 =	smov.u32 s24;
	s22 =	smov.u32 s25  }
0x46: {  	s23 =	sadd.s32 $0x1, s23  }
0x47: {  	s30 =	sadd.s32 $0xFFFF8000, s26;
	p1 =	sne.s32 s23, $0x50;
	_ =	swait.ge [sflag:s21], $0x2000  }
0x48: {  	s24 =	sadd.s32 $0x80, s24;
	s30 =	sand.u32 $0xE000, s30;
	[sflag:s21] =	ssyncset.done $0x0  }
.Ltmp0:
0x49: {  	s30 =	sadd.s32 $0x5000, s30;
	[sflag:s21] =	ssyncadd.s32 $0xFFFFE000;
	(pc) =	sbr.rel @p1 .LBB2_2-.Ltmp0, $4  }
0x4a: {  	[spmem:s2] =	stream.indirect.scatter.add.f32 [tilespmem:s30], [sflag:$0x2], $0x40, s29, s14, $0xb8;
	[tilespmem:$0x1EE00] =	vst v63  }
0x4b: {  	s25 =	sadd.s32 $0x80, s25;
	p0 =	sgt.u32 s28, $0x4B;
	_ =	swait.ge [sflag:s17], $0x2000  }
0x4c: {  	s28 =	sand.u32 @!p0 $0xE000, s26;
	s26 =	sadd.s32 $0x2000, s26;
	[sflag:s17] =	ssyncset.done $0x0  }
0x4d: {  	s28 =	sadd.s32 @!p0 $0x5000, s28;
	s29 =	simm.s32 @!p0 $0x80;
	[sflag:s17] =	ssyncadd.s32 $0xFFFFE000  }
0x4e: {  	[tilespmem:s28], [sflag:$0x1] =	stream.indirect.gather @!p0 [hbm4b:s4+s29], $0x40, s22, s29, $0xb8;
	[tilespmem:$0x1EE00] =	vst v63  }
0x4f: {  	_ =	swait.ge [sflag:s17], $0x2000  }
0x50: {  	[sflag:s17] =	ssyncset.done $0x0  }
0x51: {  	[sflag:s17] =	ssyncadd.s32 $0xFFFFE000  }
0x52: {  	_ =	swait.ge [sflag:s17], $0x2000  }
0x53: {  	[sflag:s17] =	ssyncset.done $0x0  }
0x54: {  	[sflag:s17] =	ssyncadd.s32 $0xFFFFE000  }
0x55: {  	_ =	swait.ge [sflag:s17], $0x2000  }
0x56: {  	[sflag:s17] =	ssyncset.done $0x0  }
0x57: {  	[sflag:s17] =	ssyncadd.s32 $0xFFFFE000  }
0x58: {  	_ =	swait.ge [sflag:s17], $0x2000  }
0x59: {  	s19 =	sadd.s32 $0x1, s19;
	[sflag:s17] =	ssyncset.done $0x0  }
0x5a: {  	p0 =	sne.s32 s19, s9;
	[sflag:s17] =	ssyncadd.s32 $0xFFFFE000  }
.Ltmp1:
0x5b: {  	[bflag:$0x0] =	sbarrier.arrive $0xFFFF;
	(pc) =	sbr.rel @p0 .LBB2_1-.Ltmp1, $4  }
0x5c: {  	[hbm:s10], [sflag:s6] =	dma.local [spmem:s11], $0x13C0  }
0x5d: {  	_ =	swait.ge [sflag:s12], $0x13C0  }
0x5e: {  	[sflag:s12] =	ssyncset.done $0x0  }
0x5f: {  	[sflag:s12] =	ssyncadd.s32 $0xFFFFEC40  }
0x60: {  	_ =	sfence.sel $0x180000  }
0x61: {  	[bflag:$0x0] =	sbarrier.arrive $0xFFFF  }
0x62: {  	_ =	strace $0x9000004A  }
0x63: {  	s0 =	stileid.u32;
	[bflag:$0x2] =	sbarrier.arrive $0xFFFF  }
0x64: {  	p0 =	sne.s32 s0, $0x0;
	s0 =	rddreg [dreg:$0x3]  }
0x65: {  	s0 =	sadd.s32 @!p0 $0x100000, s0  }
0x66: {  	[sflag:s0] =	ssyncadd.tile.s32 @!p0 $0x1;
	_ =	shalt  }
.Lfunc_end2:
_tile_overlayer_lowered:
.L_overlay_start_2:
0x67: {  	(tag) =	ssettag $0x2  }
0x68: {  	s0 =	rddreg [dreg:$0x0];
	s2 =	stileid.u32  }
0x69: {  	s1 =	rddreg [dreg:$0x1];
	p0 =	sne.s32 s2, $0x0  }
0x6a: {  	s3 =	rddreg [dreg:$0x2];
	[bflag:$0x3] =	sbarrier.arrive $0xFFFF;
	s2 =	simm.s32 @!p0 $0x1C03  }
0x6b: {  	[timem:s3], [sflag:s2] =	dma.local @!p0 [hbm:s0], s1  }
0x6c: {  	s0 =	simm.s32 @!p0 $0x3  }
0x6d: {  	_ =	swait.ge @!p0 [sflag:s0], s1  }
0x6e: {  	s1 =	ssub.s32 @!p0 $0x0, s1;
	[sflag:s0] =	ssyncset.done @!p0 $0x0  }
0x6f: {  	[sflag:s0] =	ssyncadd.s32 @!p0 s1  }
0x70: {  	[bflag:$0x3] =	sbarrier.arrive $0xFFFF  }
0x71: {  	_ =	shalt  }

// kernel: kernel.7.cloned.1.call-start
scs
__scs_entry_jumppad:
0x0: {  	(pc) =	sbr.rel $0x88, $3  }
0x1: {  	(tag) =	ssettag $0x0;
	lr =	simm.s32 $0x1  }
0x2: {  	[smem:$0x3F99] =	sst lr;
	_ =	strace $0xD0000000  }
0x3: {  	_ = 	snop  }
0x4: {  	_ = 	snop  }
0x5: {  	_ = 	snop  }
0x6: {  	_ = 	snop  }
0x7: {  	_ = 	snop  }
__scs_overlays_trampoline_lowered:
0x8: {  	[smem:$0x3FA8] =	sst s0  }
0x9: {  	[smem:$0x3FA9] =	sst s1  }
0xa: {  	[smem:$0x3FAA] =	sst s2  }
0xb: {  	[smem:$0x3FAB] =	sst s3  }
0xc: {  	[smem:$0x3FAC] =	sst s4  }
0xd: {  	[smem:$0x3FAD] =	sst s5  }
0xe: {  	[smem:$0x3FAE] =	sst s6  }
0xf: {  	[smem:$0x3FAF] =	sst s7  }
0x10: {  	[smem:$0x3FB0] =	sst s8  }
0x11: {  	[smem:$0x3FB1] =	sst s9;
	s0 =	simm.s32 @!p0 $0x0  }
0x12: {  	s1 =	sld [smem:$0x3F97];
	s0 =	simm.s32 @p0 $0x1  }
0x13: {  	[smem:$0x3FB2] =	sst s0;
	s0 =	simm.s32 @!p1 $0x0  }
0x14: {  	s2 =	sld [smem:$0x3F96];
	s0 =	simm.s32 @p1 $0x1  }
0x15: {  	[smem:$0x3FB3] =	sst s0;
	s0 =	simm.s32 @!p2 $0x0  }
0x16: {  	s3 =	sld [smem:$0x3FDB];
	s0 =	simm.s32 @p2 $0x1  }
0x17: {  	s4 =	simm.s32 $0x1BF5;
	[smem:$0x3FB5] =	sst s0  }
0x18: {  	s0 =	sld [smem:$0x3F98];
	_ =	swait.ge [sflag:s4], $0x0  }
0x19: {  	s7 =	sld [smem:$0x3F99]  }
0x1a: {  	s8 =	sadd.s32 $0xFFFFE003, lr  }
0x1b: {  	s9 =	sadd.s32 $0xFFFFFEF7, lr;
	s5 =	simm.s32 $0xFFFFFFFF;
	p2 =	slt.u32 s8, $0xFFFFF086  }
0x1c: {  	p1 =	slt.u32 s9, $0xF7A;
	s5 =	simm.s32 @!p2 $0x0  }
0x1d: {  	s5 =	simm.s32 @p1 $0x1;
	p0 =	seq.s32 s7, s2  }
0x1e: {  	s7 =	smul.u32 @!p0 $0xF7A, s2;
	p2 =	seq.s32 @!p0 s5, $0x0  }
0x1f: {  	s9 =	smul.u32 $0xF7A, s1;
	s8 =	simm.s32 @!p0 $0x1BF5;
	p2 =	por !p2, p0  }
0x20: {  	[sflag:s8] =	ssyncset.s32 @!p0 $0xFFFFF086;
	s6 =	sadd.s32 @!p0 s3, s7;
	s7 =	simm.s32 @!p0 $0x108  }
0x21: {  	s3 =	sadd.s32 s3, s9;
	s6 =	sadd.s32 @!p0 $0x88, s6;
	s7 =	simm.s32 @p2 $0x1082  }
0x22: {  	[simem:s7], [sflag:s8] =	dma.local @!p0 [hbm:s6], $0xF7A  }
0x23: {  	s9 =	sor.u32 $0xD0000000, s2;
	s6 =	simm.s32 $0x108;
	_ =	swait.ge @!p0 [sflag:s8], $0x0  }
0x24: {  	s3 =	sadd.s32 $0x88, s3;
	s6 =	simm.s32 @!p1 $0x1082;
	[sflag:s4] =	ssyncset.s32 $0xFFFFF086  }
0x25: {  	[simem:s6], [sflag:s4] =	dma.local [hbm:s3], $0xF7A  }
0x26: {  	[smem:$0x3F99] =	sst s1;
	(tag) =	ssettag s2;
	_ =	strace s9  }
0x27: {  	s1 =	sld [smem:$0x3FA9]  }
0x28: {  	s2 =	sld [smem:$0x3FAA]  }
0x29: {  	s4 =	sld [smem:$0x3FAC]  }
0x2a: {  	p0 =	seq.s32 s5, $0x0;
	s5 =	sld [smem:$0x3FAD]  }
0x2b: {  	s6 =	sld [smem:$0x3FAE]  }
0x2c: {  	s7 =	sld [smem:$0x3FAF]  }
0x2d: {  	s3 =	simm.s32 $0x108;
	s8 =	sld [smem:$0x3FB0]  }
0x2e: {  	s3 =	simm.s32 @!p0 $0x1082;
	s9 =	sld [smem:$0x3FB1]  }
0x2f: {  	lr =	sadd.s32 s0, s3;
	s0 =	sld [smem:$0x3FA8]  }
0x30: {  	s3 =	sld [smem:$0x3FAB]  }
0x31: {  	[smem:$0x3FB4] =	sst s10  }
0x32: {  	s10 =	sld [smem:$0x3FB2];
	_ =	sdelay $0x3  }
0x33: {  	p0 =	seq.s32 s10, $0x1;
	s10 =	sld [smem:$0x3FB4];
	_ =	sdelay $0x3  }
0x34: {  	[smem:$0x3FB4] =	sst s10  }
0x35: {  	s10 =	sld [smem:$0x3FB3];
	_ =	sdelay $0x3  }
0x36: {  	p1 =	seq.s32 s10, $0x1;
	s10 =	sld [smem:$0x3FB4];
	_ =	sdelay $0x3  }
0x37: {  	[smem:$0x3FB4] =	sst s10  }
0x38: {  	s10 =	sld [smem:$0x3FB5]  }
0x39: {  	_ = 	snop;
	(pc) =	sbr.ind lr, $3  }
0x3a: {  	_ = 	snop  }
0x3b: {  	_ = 	snop  }
0x3c: {  	p2 =	seq.s32 s10, $0x1;
	s10 =	sld [smem:$0x3FB4]  }
0x3d: {  	_ =	shalt  }
0x3e: {  	_ =	shalt  }
0x3f: {  	_ =	shalt  }
0x40: {  	_ =	shalt  }
0x41: {  	_ =	shalt  }
0x42: {  	_ =	shalt  }
0x43: {  	_ =	shalt  }
0x44: {  	_ =	shalt  }
0x45: {  	_ =	shalt  }
0x46: {  	_ =	shalt  }
0x47: {  	_ =	shalt  }
0x48: {  	_ =	shalt  }
0x49: {  	_ =	shalt  }
0x4a: {  	_ =	shalt  }
0x4b: {  	_ =	shalt  }
0x4c: {  	_ =	shalt  }
0x4d: {  	_ =	shalt  }
0x4e: {  	_ =	shalt  }
0x4f: {  	_ =	shalt  }
0x50: {  	_ =	shalt  }
0x51: {  	_ =	shalt  }
0x52: {  	_ =	shalt  }
0x53: {  	_ =	shalt  }
0x54: {  	_ =	shalt  }
0x55: {  	_ =	shalt  }
0x56: {  	_ =	shalt  }
0x57: {  	_ =	shalt  }
0x58: {  	_ =	shalt  }
0x59: {  	_ =	shalt  }
0x5a: {  	_ =	shalt  }
0x5b: {  	_ =	shalt  }
0x5c: {  	_ =	shalt  }
0x5d: {  	_ =	shalt  }
0x5e: {  	_ =	shalt  }
0x5f: {  	_ =	shalt  }
0x60: {  	_ =	shalt  }
0x61: {  	_ =	shalt  }
0x62: {  	_ =	shalt  }
0x63: {  	_ =	shalt  }
0x64: {  	_ =	shalt  }
0x65: {  	_ =	shalt  }
0x66: {  	_ =	shalt  }
0x67: {  	_ =	shalt  }
0x68: {  	_ =	shalt  }
0x69: {  	_ =	shalt  }
0x6a: {  	_ =	shalt  }
0x6b: {  	_ =	shalt  }
0x6c: {  	_ =	shalt  }
0x6d: {  	_ =	shalt  }
0x6e: {  	_ =	shalt  }
0x6f: {  	_ =	shalt  }
0x70: {  	_ =	shalt  }
0x71: {  	_ =	shalt  }
0x72: {  	_ =	shalt  }
0x73: {  	_ =	shalt  }
0x74: {  	_ =	shalt  }
0x75: {  	_ =	shalt  }
0x76: {  	_ =	shalt  }
0x77: {  	_ =	shalt  }
0x78: {  	_ =	shalt  }
0x79: {  	_ =	shalt  }
0x7a: {  	_ =	shalt  }
0x7b: {  	_ =	shalt  }
0x7c: {  	_ =	shalt  }
0x7d: {  	_ =	shalt  }
0x7e: {  	_ =	shalt  }
0x7f: {  	_ =	shalt  }
0x80: {  	_ =	shalt  }
0x81: {  	_ =	shalt  }
0x82: {  	_ =	shalt  }
0x83: {  	_ =	shalt  }
0x84: {  	_ =	shalt  }
0x85: {  	_ =	shalt  }
0x86: {  	_ =	shalt  }
0x87: {  	_ =	shalt  }
.Lfunc_end0:
.L_simem_size_0:
called_computation_lowered:
.L_overlay_start_0:
0x88: {  	s2 =	sld [smem:$0x3FD9]  }
0x89: {  	s3 =	sld [smem:$0x3FFE];
	_ =	sdelay $0x1  }
0x8a: {  	s1 =	srdreg.scid  }
0x8b: {  	s0 =	sand.u32 $0x1, s1  }
0x8c: {  	s17 =	sshll.u32 s0, $0xA;
	s2 =	sadd.s32 s3, s2  }
0x8d: {  	s2 =	sadd.s32 s2, s17  }
0x8e: {  	[smem:$0x3FC0] =	sst s2  }
0x8f: {  	_ = 	snop  }
0x90: {  	s2 =	sld [smem:$0x3FD0];
	(tm) =	ssettm $0x1  }
0x91: {  	s18 =	sld [smem:$0x3FFB];
	_ =	sdelay $0x3  }
0x92: {  	_ =	strace s18  }
0x93: {  	s3 =	sld [smem:$0x3FFC];
	_ =	sdelay $0x3  }
0x94: {  	_ =	strace s3  }
0x95: {  	s3 =	sld [smem:$0x3FFD];
	_ =	sdelay $0x3  }
0x96: {  	_ =	strace s3  }
0x97: {  	_ =	strace $0x8FFFFFFF  }
0x98: {  	s19 =	sld [smem:$0x3FDB];
	_ =	sdelay $0x1  }
0x99: {  	s4 =	simm.s32 $_scs_section_size  }
0x9a: {  	s5 =	simm.s32 $_size__tile_overlayer_lowered;
	s6 =	simm.s32 $_tile_overlayer_lowered  }
0x9b: {  	s22 =	simm.s32 $0x1BFF;
	s21 =	sshll.u32 s6, $0x1;
	s3 =	sadd.s32 s4, s19  }
0x9c: {  	s7 =	simm.s32 $0x0;
	s20 =	sshll.u32 s5, $0x1;
	s5 =	sadd.s32 s21, s3  }
0x9d: {  	[timem:s7], [sflag:s22] =	dma.local [hbm:s5], s20  }
0x9e: {  	_ =	swait.ge [sflag:s22], s20  }
0x9f: {  	s4 =	ssub.s32 $0x0, s20;
	[sflag:s22] =	ssyncset.done $0x0  }
0xa0: {  	[sflag:s22] =	ssyncadd.s32 s4;
	_ =	sdelay $0x1  }
0xa1: {  	s23 =	simm.s32 $0x1B8B  }
0xa2: {  	_ =	swait.ge [sflag:s23], $0x1  }
0xa3: {  	[sflag:s23] =	ssyncset.done $0x0  }
0xa4: {  	s25 =	simm.s32 $0x1B8E;
	s24 =	sld [smem:$0x3FFE];
	[sflag:s23] =	ssyncadd.s32 $0xFFFFFFFF  }
0xa5: {  	s26 =	simm.s32 $execute0_lowered;
	[smem:$0x3FD2] =	sst s25  }
0xa6: {  	s5 =	sshll.u32 s26, $0x1;
	_ =	strace $0x80000046;
	[dreg:$0x1] =	wrdreg $0xFFFFFFFF  }
0xa7: {  	s28 =	simm.s32 $_size_execute0_lowered;
	s3 =	sadd.s32 s3, s5;
	[dreg:$0x0] =	wrdreg $0x0  }
0xa8: {  	s5 =	sshll.u32 s28, $0x1;
	[dreg:$0x2] =	wrdreg s3  }
0xa9: {  	[dreg:$0x3] =	wrdreg s5  }
0xaa: {  	[dreg:$0x4] =	wrdreg $0xC0  }
0xab: {  	_ =	task [dreg:s7], $0x5FFFF  }
0xac: {  	[dreg:$0x1] =	wrdreg $0xFFFFFFFF  }
0xad: {  	[dreg:$0x0] =	wrdreg $0x60  }
0xae: {  	[dreg:$0x2] =	wrdreg s24  }
0xaf: {  	[dreg:$0x3] =	wrdreg s2  }
0xb0: {  	[dreg:$0x4] =	wrdreg $0x110000  }
0xb1: {  	[dreg:$0x5] =	wrdreg $0x1B6000  }
0xb2: {  	[dreg:$0x6] =	wrdreg $0x9  }
0xb3: {  	_ =	task.clear_ibuf [dreg:s7], $0x7FFFF;
	_ =	strace $0x90000046  }
0xb4: {  	s29 =	simm.s32 $0x9;
	_ =	strace $0x80000048  }
0xb5: {  	_ =	swait.ge [sflag:s29], $0x1  }
0xb6: {  	[sflag:s29] =	ssyncadd.s32 $0xFFFFFFFF  }
0xb7: {  	_ =	strace $0x90000048  }
0xb8: {  	_ =	sfence  }
0xb9: {  	s30 =	sld [smem:$0x0];
	_ =	sdelay $0x2  }
0xba: {  	s31 =	sshll.u32 s1, $0xD;
	s1 =	sshrl.u32 s1, $0x2  }
0xbb: {  	s3 =	sand.u32 $0x4000, s31;
	s1 =	sadd.s32 s1, s30  }
0xbc: {  	s0 =	sor.u32 s3, s0;
	s1 =	sshll.u32 s1, $0x11  }
0xbd: {  	s0 =	sor.u32 s1, s0  }
0xbe: {  	s0 =	sadd.s32 $0x8F2B, s0  }
0xbf: {  	[sflag:s0] =	ssyncadd.remote.s32 $0x1  }
0xc0: {  	_ =	sfence.sel $0xFFFF  }
0xc1: {  	[dreg:$0x0] =	wrdreg $0xFFFFFFFF;
	(pc) =	sbr.abs _section_cstart, $3  }
0xc2: {  	[dreg:$0x1] =	wrdreg $0xFFFFFFFF  }
0xc3: {  	_ =	task.clear_ibuf [dreg:s7], $0x2FFFF;
	_ =	strace $0x9FFFFFFF  }
0xc4: {  	(tm) =	ssettm $0x7FFFFFFF  }
0xc5: {  	_ =	shalt  }
tec
execute0_lowered:
.L_overlay_start_1:
0x0: {  	(tag) =	ssettag $0x1  }
0x1: {  	s8 =	rddreg [dreg:$0x0]  }
0x2: {  	s9 =	rddreg [dreg:$0x1]  }
0x3: {  	s1 =	rddreg [dreg:$0x2]  }
0x4: {  	s2 =	rddreg [dreg:$0x3];
	s3 =	srdreg.scid;
	s4 =	simm.s32 $0x0  }
0x5: {  	s0 =	stileid.u32;
	s24 =	simm.s32 $0x9000;
	s25 =	simm.s32 $0x1  }
0x6: {  	s26 =	simm.s32 $0x2;
	s28 =	simm.s32 $0x0;
	s20 =	sand.u32 $0x1, s3  }
0x7: {  	[smem:$0x7FF] =	sst s4;
	s11 =	smul.u32 $0x2780, s0;
	s6 =	sadd.s32 $0x33200, s8  }
0x8: {  	s7 =	sadd.s32 $0x3D200, s8;
	s14 =	sadd.s32 $0x56000, s8;
	s16 =	sadd.s32 $0x42400, s8  }
0x9: {  	s17 =	sadd.s32 $0x69C00, s8;
	s19 =	smul.u32 $0x9E00, s0;
	s21 =	sadd.s32 $0x6EC00, s8  }
0xa: {  	s31 =	sshll.u32 s0, $0x6;
	s5 =	smul.u32 $0x13880, s20;
	_ =	strace $0x80000047  }
0xb: {  	s10 =	ssub.s32 $0x2, s20;
	p0 =	seq.s32 s20, $0x1;
	s15 =	sshrl.u32 s11, $0x3  }
0xc: {  	s18 =	sshrl.u32 s10, $0x1;
	s22 =	sadd.s32 s19, s1;
	s19 =	sshrl.u32 s19, $0x3  }
0xd: {  	s23 =	sadd.s32 s11, s2;
	s14 =	smov.u32 @p0 s16;
	s17 =	smov.u32 @p0 s21  }
0xe: {  	p0 =	seq.s32 s20, $0x0;
	s20 =	simm.s32 $0x80;
	s21 =	simm.s32 $0x5000  }
0xf: {  	s12 =	sadd.s32 s5, s8;
	s5 =	sadd.s32 $0x29200, s8;
	s13 =	sadd.s32 s15, s8  }
0x10: {  	s18 =	ssub.s32 s10, s18;
	s8 =	smul.u32 $0xA0, s0;
	s9 =	sadd.s32 s9, s19  }
0x11: {  	s10 =	sor.u32 $0x1C04, s31;
	s14 =	sadd.s32 s14, s19;
	s15 =	sadd.s32 s17, s15  }
0x12: {  	s16 =	sshrl.u32 s22, $0x3;
	s17 =	simm.s32 $0x4;
	s19 =	simm.s32 $0x1AE00  }
0x13: {  	s22 =	simm.s32 $0x7000;
	s11 =	sadd.s32 $0x3D400, s13;
	s12 =	sadd.s32 $0x2000, s12  }
0x14: {  	s13 =	smax.u32 s18, $0x1;
	s18 =	sshrl.u32 s23, $0x3;
	s23 =	simm.s32 $0x100  }
.LBB2_1:
0x15: {  	[spmem:s16], [sflag:s10] =	dma.local [hbm:s9], $0x13C0  }
0x16: {  	_ =	swait.ge [sflag:s17], $0x13C0  }
0x17: {  	[sflag:s17] =	ssyncset.done $0x0  }
0x18: {  	[sflag:s17] =	ssyncadd.s32 $0xFFFFEC40  }
0x19: {  	[spmem:s18], [sflag:s10] =	dma.local [hbm:s11], $0x4F0  }
0x1a: {  	_ =	swait.ge [sflag:s17], $0x4F0  }
0x1b: {  	[sflag:s17] =	ssyncset.done $0x0  }
0x1c: {  	[sflag:s17] =	ssyncadd.s32 $0xFFFFFB10  }
0x1d: {  	[tilespmem:s19], [sflag:$0x4] =	stream.linear.gather [hbm4b:s7+s4], $0x800, $0x38;
	[tilespmem:$0x1DD80] =	vst v63  }
0x1e: {  	_ =	swait.ge [sflag:s17], $0x800  }
0x1f: {  	[sflag:s17] =	ssyncset.done $0x0  }
0x20: {  	p3 =	por $0x1, $0x1;
	[sflag:s17] =	ssyncadd.s32 $0xFFFFF800  }
0x21: {  	p4 =	por $0x0, $0x0;
	s29 =	simm.s32 $0x0;
	[bflag:$0x0] =	sbarrier.arrive $0xFFFF  }
.LBB2_2:
0x22: {  	s29 =	sadd.s32 s8, s29  }
0x23: {  	s30 =	sshll.u32 s29, $0x4  }
0x24: {  	s29 =	simm.s32 $0x0;
	s31 =	sadd.s32 s5, s30  }
0x25: {  	[tilespmem:s29], [sflag:$0x4] =	stream.linear.gather [hbm4b:s31+s29], $0x2800, $0x38;
	[tilespmem:$0x1DD80] =	vst v63  }
0x26: {  	_ =	swait.ge [sflag:s17], $0x2800  }
0x27: {  	[sflag:s17] =	ssyncset.done $0x0  }
0x28: {  	s31 =	sadd.s32 s6, s30;
	s30 =	simm.s32 $0x2800;
	[sflag:s17] =	ssyncadd.s32 $0xFFFFD800  }
0x29: {  	[tilespmem:s30], [sflag:$0x4] =	stream.linear.gather [hbm4b:s31+s29], $0x2800, $0x38;
	[tilespmem:$0x1DD80] =	vst v63  }
0x2a: {  	_ =	swait.ge [sflag:s17], $0x2800  }
0x2b: {  	[sflag:s17] =	ssyncset.done $0x0  }
0x2c: {  	[sflag:s17] =	ssyncadd.s32 $0xFFFFD800  }
0x2d: {  	[tilespmem:s21], [sflag:$0x1] =	stream.indirect.gather [hbm4b:s12+s20], $0x40, s29, s20, $0xb8;
	[tilespmem:$0x1DD80] =	vst v63  }
0x2e: {  	p2 =	por !p4, !p4  }
0x2f: {  	[tilespmem:s22], [sflag:$0x1] =	stream.indirect.gather [hbm4b:s12+s20], $0x40, s20, s20, $0xb8;
	[tilespmem:$0x1DD80] =	vst v63  }
0x30: {  	p1 =	por p3, p3;
	p2 =	por @!p0 p4, p4;
	s31 =	simm.s32 $0x180  }
0x31: {  	[tilespmem:s24], [sflag:$0x1] =	stream.indirect.gather [hbm4b:s12+s20], $0x40, s23, s20, $0xb8;
	[tilespmem:$0x1DD80] =	vst v63  }
.LBB2_3:
0x32: {  	s0 =	smul.u32 $0xAB, s29;
	_ =	sdelay $0x1  }
0x33: {  	s0 =	sshrl.u32 s0, $0xA  }
0x34: {  	s0 =	sand.u32 $0x3F, s0  }
0x35: {  	s0 =	smul.u32 $0x6, s0;
	_ =	sdelay $0x1  }
0x36: {  	s0 =	ssub.s32 s29, s0  }
0x37: {  	_ =	swait.ge [sflag:s25], $0x2000;
	s0 =	sand.u32 $0xFF, s0  }
0x38: {  	[sflag:s25] =	ssyncset.done $0x0;
	s0 =	sshll.u32 s0, $0xD  }
0x39: {  	[sflag:s25] =	ssyncadd.s32 $0xFFFFE000;
	s0 =	sadd.s32 $0x5000, s0  }
0x3a: {  	[spmem:s1] =	stream.indirect.scatter.add.f32 [tilespmem:s0], [sflag:$0x2], $0x40, s30, s20, $0xb8;
	[tilespmem:$0x1DD80] =	vst v63  }
0x3b: {  	s3 =	simm.s32 @p2 $0x1AE00;
	p3 =	slt.u32 s29, $0x3;
	s0 =	simm.s32 @p2 $0x80  }
0x3c: {  	[spmem:s2] =	stream.indirect.scatter.add.f32 @p2 [tilespmem:s3], [sflag:$0x3], $0x10, s30, s0, $0xb8;
	[tilespmem:$0x1DD80] =	vst v63  }
0x3d: {  	s0 =	simm.s32 @!p3 $0x2  }
0x3e: {  	_ =	swait.ge @!p3 [sflag:s0], $0x2000  }
0x3f: {  	p4 =	por !p2, p3;
	[sflag:s0] =	ssyncset.done @!p3 $0x0  }
0x40: {  	[sflag:s0] =	ssyncadd.s32 @!p3 $0xFFFFE000;
	s0 =	simm.s32 @!p4 $0x3  }
0x41: {  	p5 =	sgt.u32 @!p3 s29, $0x4C;
	_ =	swait.ge @!p4 [sflag:s0], $0x800  }
0x42: {  	p3 =	por p3, !p5;
	[sflag:s0] =	ssyncset.done @!p4 $0x0  }
0x43: {  	[sflag:s0] =	ssyncadd.s32 @!p4 $0xFFFFF800;
	s0 =	sadd.s32 @p3 $0x3, s29  }
0x44: {  	s3 =	smul.u32 @p3 $0xAB, s0;
	_ =	sdelay $0x1  }
0x45: {  	s3 =	sshrl.u32 @p3 s3, $0xA  }
0x46: {  	s3 =	sand.u32 @p3 $0x3F, s3  }
0x47: {  	s3 =	smul.u32 @p3 $0x6, s3;
	_ =	sdelay $0x1  }
0x48: {  	s0 =	ssub.s32 @p3 s0, s3  }
0x49: {  	s0 =	sand.u32 @p3 $0xFF, s0  }
0x4a: {  	s0 =	sshll.u32 @p3 s0, $0xD  }
0x4b: {  	s29 =	sadd.s32 $0x1, s29;
	s0 =	sadd.s32 @p3 $0x5000, s0  }
0x4c: {  	[tilespmem:s0], [sflag:$0x1] =	stream.indirect.gather @p3 [hbm4b:s12+s20], $0x40, s31, s20, $0xb8;
	[tilespmem:$0x1DD80] =	vst v63  }
0x4d: {  	p3 =	sne.s32 s29, $0x50  }
.Ltmp0:
0x4e: {  	_ = 	snop;
	(pc) =	sbr.rel @p3 .LBB2_3-.Ltmp0, $2  }
0x4f: {  	_ =	sdelay $0x2  }
0x50: {  	s30 =	sadd.s32 $0x80, s30;
	s31 =	sadd.s32 $0x80, s31  }
0x51: {  	_ =	swait.ge [sflag:s26], $0x2000  }
0x52: {  	[sflag:s26] =	ssyncset.done $0x0  }
0x53: {  	s0 =	simm.s32 @p2 $0x3;
	[sflag:s26] =	ssyncadd.s32 $0xFFFFE000  }
0x54: {  	_ =	swait.ge @p2 [sflag:s0], $0x800  }
0x55: {  	[sflag:s0] =	ssyncset.done @p2 $0x0  }
0x56: {  	s3 =	simm.s32 @p2 $0x2;
	[sflag:s0] =	ssyncadd.s32 @p2 $0xFFFFF800  }
0x57: {  	_ =	swait.ge @p2 [sflag:s3], $0x2000  }
0x58: {  	[sflag:s3] =	ssyncset.done @p2 $0x0  }
0x59: {  	[sflag:s3] =	ssyncadd.s32 @p2 $0xFFFFE000  }
0x5a: {  	_ =	swait.ge @p2 [sflag:s0], $0x800  }
0x5b: {  	[sflag:s0] =	ssyncset.done @p2 $0x0  }
0x5c: {  	[sflag:s0] =	ssyncadd.s32 @p2 $0xFFFFF800  }
0x5d: {  	_ =	swait.ge @p2 [sflag:s3], $0x2000  }
0x5e: {  	[sflag:s3] =	ssyncset.done @p2 $0x0  }
0x5f: {  	[sflag:s3] =	ssyncadd.s32 @p2 $0xFFFFE000  }
0x60: {  	_ =	swait.ge @p2 [sflag:s0], $0x800  }
0x61: {  	[sflag:s0] =	ssyncset.done @p2 $0x0  }
0x62: {  	[sflag:s0] =	ssyncadd.s32 @p2 $0xFFFFF800;
	s0 =	simm.s32 @!p2 $0x2  }
0x63: {  	_ =	swait.ge @!p2 [sflag:s0], $0x2000  }
.Ltmp1:
0x64: {  	[sflag:s0] =	ssyncset.done @!p2 $0x0;
	(pc) =	sbr.rel @p1 .LBB2_2-.Ltmp1, $4  }
0x65: {  	[sflag:s0] =	ssyncadd.s32 @!p2 $0xFFFFE000  }
0x66: {  	_ =	swait.ge @!p2 [sflag:s0], $0x2000  }
0x67: {  	s29 =	simm.s32 $0x50;
	[sflag:s0] =	ssyncset.done @!p2 $0x0  }
0x68: {  	p3 =	por $0x0, $0x0;
	p4 =	por $0x1, $0x1;
	[sflag:s0] =	ssyncadd.s32 @!p2 $0xFFFFE000  }
0x69: {  	[bflag:$0x0] =	sbarrier.arrive $0xFFFF  }
0x6a: {  	[hbm:s14], [sflag:s10] =	dma.local [spmem:s16], $0x13C0  }
0x6b: {  	s28 =	sadd.s32 $0x1, s28;
	_ =	swait.ge [sflag:s17], $0x13C0  }
0x6c: {  	p1 =	sne.s32 s28, s13;
	[sflag:s17] =	ssyncset.done $0x0  }
.Ltmp2:
0x6d: {  	[sflag:s17] =	ssyncadd.s32 $0xFFFFEC40;
	(pc) =	sbr.rel @p1 .LBB2_1-.Ltmp2, $4  }
0x6e: {  	[hbm:s15], [sflag:s10] =	dma.local [spmem:s18], $0x4F0  }
0x6f: {  	_ =	swait.ge [sflag:s17], $0x4F0  }
0x70: {  	[sflag:s17] =	ssyncset.done $0x0  }
0x71: {  	[sflag:s17] =	ssyncadd.s32 $0xFFFFFB10  }
0x72: {  	_ =	sfence.sel $0x180000  }
0x73: {  	[bflag:$0x0] =	sbarrier.arrive $0xFFFF  }
0x74: {  	_ =	strace $0x90000047  }
0x75: {  	s0 =	stileid.u32;
	[bflag:$0x2] =	sbarrier.arrive $0xFFFF  }
0x76: {  	p0 =	sne.s32 s0, $0x0;
	s0 =	rddreg [dreg:$0x4]  }
0x77: {  	s0 =	sadd.s32 @!p0 $0x100000, s0  }
0x78: {  	[sflag:s0] =	ssyncadd.tile.s32 @!p0 $0x1;
	_ =	shalt  }
.Lfunc_end2:
_tile_overlayer_lowered:
.L_overlay_start_2:
0x79: {  	(tag) =	ssettag $0x2  }
0x7a: {  	s0 =	rddreg [dreg:$0x0];
	s2 =	stileid.u32  }
0x7b: {  	s1 =	rddreg [dreg:$0x1];
	p0 =	sne.s32 s2, $0x0  }
0x7c: {  	s3 =	rddreg [dreg:$0x2];
	[bflag:$0x3] =	sbarrier.arrive $0xFFFF;
	s2 =	simm.s32 @!p0 $0x1C04  }
0x7d: {  	[timem:s3], [sflag:s2] =	dma.local @!p0 [hbm:s0], s1  }
0x7e: {  	s0 =	simm.s32 @!p0 $0x4  }
0x7f: {  	_ =	swait.ge @!p0 [sflag:s0], s1  }
0x80: {  	s1 =	ssub.s32 @!p0 $0x0, s1;
	[sflag:s0] =	ssyncset.done @!p0 $0x0  }
0x81: {  	[sflag:s0] =	ssyncadd.s32 @!p0 s1  }
0x82: {  	[bflag:$0x3] =	sbarrier.arrive $0xFFFF  }
0x83: {  	_ =	shalt  }

</sc_bundles>
